<compile_context>
chip_gen: v7x
topology: tpu7x:2x2x1
jax: 0.10.2.dev20260603
libtpu: 0.0.44.dev20260713+nightly
codegen_flags: <defaults>
</compile_context>

<pallas_src>
import functools

import jax
import jax.numpy as jnp
from jax import lax
from jax.experimental import pallas as pl
from jax.experimental.pallas import tpu as pltpu
from jax.experimental.pallas import tpu_sc as plsc

B = 16384
F = 64
NC = 2
NS = 16
NW = NC * NS
BPW = B // NW
CHUNK = 128
NCHUNK = BPW // CHUNK
LANES = 16
NGROUP = BPW // LANES


@functools.partial(
    pl.kernel,
    out_type=jax.ShapeDtypeStruct((B,), jnp.float32),
    mesh=plsc.VectorSubcoreMesh(core_axis_name="c", subcore_axis_name="s"),
    compiler_params=pltpu.CompilerParams(
        needs_layout_passes=False, use_tc_tiling_on_sc=False),
    scratch_types=[
        pltpu.VMEM((NCHUNK, CHUNK), jnp.int32),
        pltpu.VMEM((NCHUNK, CHUNK), jnp.int32),
        pltpu.VMEM((BPW, F), jnp.float32),
        pltpu.VMEM((BPW, F), jnp.float32),
        pltpu.VMEM((BPW,), jnp.float32),
        pltpu.VMEM((BPW,), jnp.float32),
        pltpu.VMEM((BPW,), jnp.float32),
        pltpu.SemaphoreType.DMA,
    ],
)
def _mf_kernel(user_ref, movie_ref, uf_ref, mf_ref, ub_ref, mb_ref,
               out_ref, idx_u, idx_m, uf_v, mf_v, ub_v, mb_v, out_v, sem):
    wid = lax.axis_index("s") * NC + lax.axis_index("c")

    pltpu.sync_copy(user_ref.at[wid], idx_u)
    pltpu.sync_copy(movie_ref.at[wid], idx_m)

    copies = []
    for k in range(NCHUNK):
        dst = pl.ds(k * CHUNK, CHUNK)
        copies.append(pltpu.async_copy(uf_ref.at[idx_u.at[k]], uf_v.at[dst], sem))
        copies.append(pltpu.async_copy(mf_ref.at[idx_m.at[k]], mf_v.at[dst], sem))
        copies.append(pltpu.async_copy(ub_ref.at[idx_u.at[k]], ub_v.at[dst], sem))
        copies.append(pltpu.async_copy(mb_ref.at[idx_m.at[k]], mb_v.at[dst], sem))
    for c in copies:
        c.wait()

    def group_body(g, carry):
        rows = g * LANES + lax.iota(jnp.int32, 16)
        acc0 = ub_v[pl.ds(g * LANES, LANES)] + mb_v[pl.ds(g * LANES, LANES)]

        def col_body(j, acc):
            cols = jnp.full((16,), j, jnp.int32)
            u = plsc.load_gather(uf_v, [rows, cols])
            m = plsc.load_gather(mf_v, [rows, cols])
            return acc + u * m

        acc = lax.fori_loop(0, F, col_body, acc0)
        out_v[pl.ds(g * LANES, LANES)] = acc
        return carry

    lax.fori_loop(0, NGROUP, group_body, 0)
    pltpu.sync_copy(out_v, out_ref.at[pl.ds(wid * BPW, BPW)])


@jax.jit
def kernel(user, movie, user_factors, movie_factors, user_biases, movie_biases):
    u3 = user.astype(jnp.int32).reshape(NW, NCHUNK, CHUNK)
    m3 = movie.astype(jnp.int32).reshape(NW, NCHUNK, CHUNK)
    ub = user_biases.reshape(-1)
    mb = movie_biases.reshape(-1)
    return _mf_kernel(u3, m3, user_factors, movie_factors, ub, mb)

# --- scband reference (transcript-rebuilt; emitter-appended) ---
"""Pipeline reference for scband-matrix-factorization-32787780338303 (READ-ONLY COPY).

The authoritative reference and input builder live on the scoring server;
editing this copy changes nothing except your own understanding.
"""

import jax, jax.numpy as jnp
import numpy as np

N_USERS = 1000000
N_MOVIES = 1000000
N_FACTORS = 64
BATCH = 16384

def setup_inputs(seed: int = 0) -> dict:
    key = jax.random.key(seed)
    k_u, k_m, k_uf, k_mf, k_ub, k_mb = jax.random.split(key, 6)
    user = jax.random.randint(k_u, (BATCH,), 0, N_USERS, dtype=jnp.int64 if jax.config.jax_enable_x64 else jnp.int32)
    movie = jax.random.randint(k_m, (BATCH,), 0, N_MOVIES, dtype=jnp.int64 if jax.config.jax_enable_x64 else jnp.int32)
    user_factors = 0.1 * jax.random.normal(k_uf, (N_USERS, N_FACTORS), dtype=jnp.float32)
    movie_factors = 0.1 * jax.random.normal(k_mf, (N_MOVIES, N_FACTORS), dtype=jnp.float32)
    user_biases = 0.1 * jax.random.normal(k_ub, (N_USERS, 1), dtype=jnp.float32)
    movie_biases = 0.1 * jax.random.normal(k_mb, (N_MOVIES, 1), dtype=jnp.float32)
    return {"user": user, "movie": movie,
            "user_factors": user_factors, "movie_factors": movie_factors,
            "user_biases": user_biases, "movie_biases": movie_biases}

def reference(user, movie, user_factors, movie_factors, user_biases, movie_biases):
    # b = user_biases(user) + movie_biases(movie)   -> [B, 1]
    b = jnp.take(user_biases, user, axis=0) + jnp.take(movie_biases, movie, axis=0)
    # factor lookups (dropout is identity at inference)
    uf = jnp.take(user_factors, user, axis=0)   # [B, F]
    mf = jnp.take(movie_factors, movie, axis=0)  # [B, F]
    x = jnp.sum(uf * mf, axis=1, keepdims=True)  # [B, 1]
    x = x + b
    x = jnp.squeeze(x)
    return x

if __name__ == "__main__":
    import jax
    _d = setup_inputs()
    print(jax.jit(kernel)(*tuple(_d.values())))

</pallas_src>

<mosaic_0001>
#map = affine_map<(d0, d1) -> (0, 0, 0)>
#map1 = affine_map<(d0, d1) -> (0, 0)>
#map2 = affine_map<(d0, d1) -> (0)>
module attributes {stable_mosaic.version = 14 : i64} {
  func.func @_mf_kernel(%arg0: i32, %arg1: i32, %arg2: memref<32x4x128xi32, #tpu.memory_space<hbm>>, %arg3: memref<32x4x128xi32, #tpu.memory_space<hbm>>, %arg4: memref<1000000x64xf32, #tpu.memory_space<hbm>>, %arg5: memref<1000000x64xf32, #tpu.memory_space<hbm>>, %arg6: memref<1000000xf32, #tpu.memory_space<hbm>>, %arg7: memref<1000000xf32, #tpu.memory_space<hbm>>, %arg8: memref<16384xf32, #tpu.memory_space<hbm>>, %arg9: memref<4x128xi32, #tpu.memory_space<vmem>>, %arg10: memref<4x128xi32, #tpu.memory_space<vmem>>, %arg11: memref<512x64xf32, #tpu.memory_space<vmem>>, %arg12: memref<512x64xf32, #tpu.memory_space<vmem>>, %arg13: memref<512xf32, #tpu.memory_space<vmem>>, %arg14: memref<512xf32, #tpu.memory_space<vmem>>, %arg15: memref<512xf32, #tpu.memory_space<vmem>>, %arg16: memref<!tpu.dma_semaphore, #tpu.memory_space<semaphore_mem>>) attributes {dimension_semantics = [#tpu.dimension_semantics<core_parallel>, #tpu.dimension_semantics<subcore_parallel>], iteration_bounds = array<i64: 2, 16>, scalar_prefetch = 0 : i64, scratch_operands = 8 : i64, tpu.core_type = #tpu.core_type<sc_vector_subcore>, window_params = [{transform_indices = #map}, {transform_indices = #map}, {transform_indices = #map1}, {transform_indices = #map1}, {transform_indices = #map2}, {transform_indices = #map2}, {transform_indices = #map2}]} {
    %mul3A = arith.constant 2 : i32
    %mul3A_0 = arith.muli %arg1, %mul3A : i32
    %add3A = arith.addi %mul3A_0, %arg0 : i32
    "tpu.region"() ({
      %run_scoped3A = tpu.sem_alloc : memref<!tpu.dma_semaphore, #tpu.memory_space<semaphore_mem>>
      %dma_start3A_294 = arith.constant 0 : i32
      %dma_start3A_295 = arith.constant 0 : i32
      %dma_start3A_296 = tpu.memref_slice %arg2[%add3A, %dma_start3A_294, %dma_start3A_295] : memref<32x4x128xi32, #tpu.memory_space<hbm>> -> memref<1x4x128xi32, #tpu.memory_space<hbm>>
      %dma_start3A_297 = tpu.memref_squeeze %dma_start3A_296 : memref<1x4x128xi32, #tpu.memory_space<hbm>> -> memref<4x128xi32, #tpu.memory_space<hbm>>
      %dma_start3A_298 = arith.constant 0 : i32
      %dma_start3A_299 = arith.constant 0 : i32
      %dma_start3A_300 = tpu.memref_slice %arg2[%add3A, %dma_start3A_298, %dma_start3A_299] : memref<32x4x128xi32, #tpu.memory_space<hbm>> -> memref<1x4x128xi32, #tpu.memory_space<hbm>>
      %dma_start3A_301 = tpu.memref_squeeze %dma_start3A_300 : memref<1x4x128xi32, #tpu.memory_space<hbm>> -> memref<4x128xi32, #tpu.memory_space<hbm>>
      tpu.enqueue_dma source(%dma_start3A_301 : memref<4x128xi32, #tpu.memory_space<hbm>>) target(%arg9 : memref<4x128xi32, #tpu.memory_space<vmem>>) target_semaphore(%run_scoped3A : memref<!tpu.dma_semaphore, #tpu.memory_space<semaphore_mem>>)
      %dma_wait3A_302 = arith.constant 0 : i32
      %dma_wait3A_303 = arith.constant 0 : i32
      %dma_wait3A_304 = tpu.memref_slice %arg2[%add3A, %dma_wait3A_302, %dma_wait3A_303] : memref<32x4x128xi32, #tpu.memory_space<hbm>> -> memref<1x4x128xi32, #tpu.memory_space<hbm>>
      %dma_wait3A_305 = tpu.memref_squeeze %dma_wait3A_304 : memref<1x4x128xi32, #tpu.memory_space<hbm>> -> memref<4x128xi32, #tpu.memory_space<hbm>>
      %dma_wait3A_306 = arith.constant 0 : i32
      %dma_wait3A_307 = arith.constant 0 : i32
      %dma_wait3A_308 = tpu.memref_slice %arg2[%add3A, %dma_wait3A_306, %dma_wait3A_307] : memref<32x4x128xi32, #tpu.memory_space<hbm>> -> memref<1x4x128xi32, #tpu.memory_space<hbm>>
      %dma_wait3A_309 = tpu.memref_squeeze %dma_wait3A_308 : memref<1x4x128xi32, #tpu.memory_space<hbm>> -> memref<4x128xi32, #tpu.memory_space<hbm>>
      tpu.wait_dma2 semaphore(%run_scoped3A : memref<!tpu.dma_semaphore, #tpu.memory_space<semaphore_mem>>) src(%dma_wait3A_309 : memref<4x128xi32, #tpu.memory_space<hbm>>) dst(%arg9 : memref<4x128xi32, #tpu.memory_space<vmem>>)
      tpu.yield
    }) : () -> ()
    "tpu.region"() ({
      %run_scoped3A = tpu.sem_alloc : memref<!tpu.dma_semaphore, #tpu.memory_space<semaphore_mem>>
      %dma_start3A_294 = arith.constant 0 : i32
      %dma_start3A_295 = arith.constant 0 : i32
      %dma_start3A_296 = tpu.memref_slice %arg3[%add3A, %dma_start3A_294, %dma_start3A_295] : memref<32x4x128xi32, #tpu.memory_space<hbm>> -> memref<1x4x128xi32, #tpu.memory_space<hbm>>
      %dma_start3A_297 = tpu.memref_squeeze %dma_start3A_296 : memref<1x4x128xi32, #tpu.memory_space<hbm>> -> memref<4x128xi32, #tpu.memory_space<hbm>>
      %dma_start3A_298 = arith.constant 0 : i32
      %dma_start3A_299 = arith.constant 0 : i32
      %dma_start3A_300 = tpu.memref_slice %arg3[%add3A, %dma_start3A_298, %dma_start3A_299] : memref<32x4x128xi32, #tpu.memory_space<hbm>> -> memref<1x4x128xi32, #tpu.memory_space<hbm>>
      %dma_start3A_301 = tpu.memref_squeeze %dma_start3A_300 : memref<1x4x128xi32, #tpu.memory_space<hbm>> -> memref<4x128xi32, #tpu.memory_space<hbm>>
      tpu.enqueue_dma source(%dma_start3A_301 : memref<4x128xi32, #tpu.memory_space<hbm>>) target(%arg10 : memref<4x128xi32, #tpu.memory_space<vmem>>) target_semaphore(%run_scoped3A : memref<!tpu.dma_semaphore, #tpu.memory_space<semaphore_mem>>)
      %dma_wait3A_302 = arith.constant 0 : i32
      %dma_wait3A_303 = arith.constant 0 : i32
      %dma_wait3A_304 = tpu.memref_slice %arg3[%add3A, %dma_wait3A_302, %dma_wait3A_303] : memref<32x4x128xi32, #tpu.memory_space<hbm>> -> memref<1x4x128xi32, #tpu.memory_space<hbm>>
      %dma_wait3A_305 = tpu.memref_squeeze %dma_wait3A_304 : memref<1x4x128xi32, #tpu.memory_space<hbm>> -> memref<4x128xi32, #tpu.memory_space<hbm>>
      %dma_wait3A_306 = arith.constant 0 : i32
      %dma_wait3A_307 = arith.constant 0 : i32
      %dma_wait3A_308 = tpu.memref_slice %arg3[%add3A, %dma_wait3A_306, %dma_wait3A_307] : memref<32x4x128xi32, #tpu.memory_space<hbm>> -> memref<1x4x128xi32, #tpu.memory_space<hbm>>
      %dma_wait3A_309 = tpu.memref_squeeze %dma_wait3A_308 : memref<1x4x128xi32, #tpu.memory_space<hbm>> -> memref<4x128xi32, #tpu.memory_space<hbm>>
      tpu.wait_dma2 semaphore(%run_scoped3A : memref<!tpu.dma_semaphore, #tpu.memory_space<semaphore_mem>>) src(%dma_wait3A_309 : memref<4x128xi32, #tpu.memory_space<hbm>>) dst(%arg10 : memref<4x128xi32, #tpu.memory_space<vmem>>)
      tpu.yield
    }) : () -> ()
    %dma_start3A = arith.constant 0 : i32
    %dma_start3A_1 = arith.constant 0 : i32
    %dma_start3A_2 = arith.constant 0 : i32
    %dma_start3A_3 = tpu.memref_slice %arg11[%dma_start3A_1, %dma_start3A_2] : memref<512x64xf32, #tpu.memory_space<vmem>> -> memref<128x64xf32, #tpu.memory_space<vmem>>
    %dma_start3A_4 = arith.constant 0 : i32
    %dma_start3A_5 = tpu.memref_slice %arg9[%dma_start3A, %dma_start3A_4] : memref<4x128xi32, #tpu.memory_space<vmem>> -> memref<1x128xi32, #tpu.memory_space<vmem>>
    %dma_start3A_6 = tpu.memref_squeeze %dma_start3A_5 : memref<1x128xi32, #tpu.memory_space<vmem>> -> memref<128xi32, #tpu.memory_space<vmem>>
    %dma_start3A_7 = arith.constant 0 : i32
    %dma_start3A_8 = arith.constant 0 : i32
    %dma_start3A_9 = tpu.memref_slice %arg4[%dma_start3A_7, %dma_start3A_8] : memref<1000000x64xf32, #tpu.memory_space<hbm>> -> memref<1000000x64xf32, #tpu.memory_space<hbm>>
    tpu.enqueue_indirect_dma source(%dma_start3A_9 : memref<1000000x64xf32, #tpu.memory_space<hbm>>) target(%dma_start3A_3 : memref<128x64xf32, #tpu.memory_space<vmem>>) offsets(%dma_start3A_6 : memref<128xi32, #tpu.memory_space<vmem>>) semaphore(%arg16 : memref<!tpu.dma_semaphore, #tpu.memory_space<semaphore_mem>>)
    %dma_start3A_10 = arith.constant 0 : i32
    %dma_start3A_11 = arith.constant 0 : i32
    %dma_start3A_12 = arith.constant 0 : i32
    %dma_start3A_13 = tpu.memref_slice %arg12[%dma_start3A_11, %dma_start3A_12] : memref<512x64xf32, #tpu.memory_space<vmem>> -> memref<128x64xf32, #tpu.memory_space<vmem>>
    %dma_start3A_14 = arith.constant 0 : i32
    %dma_start3A_15 = tpu.memref_slice %arg10[%dma_start3A_10, %dma_start3A_14] : memref<4x128xi32, #tpu.memory_space<vmem>> -> memref<1x128xi32, #tpu.memory_space<vmem>>
    %dma_start3A_16 = tpu.memref_squeeze %dma_start3A_15 : memref<1x128xi32, #tpu.memory_space<vmem>> -> memref<128xi32, #tpu.memory_space<vmem>>
    %dma_start3A_17 = arith.constant 0 : i32
    %dma_start3A_18 = arith.constant 0 : i32
    %dma_start3A_19 = tpu.memref_slice %arg5[%dma_start3A_17, %dma_start3A_18] : memref<1000000x64xf32, #tpu.memory_space<hbm>> -> memref<1000000x64xf32, #tpu.memory_space<hbm>>
    tpu.enqueue_indirect_dma source(%dma_start3A_19 : memref<1000000x64xf32, #tpu.memory_space<hbm>>) target(%dma_start3A_13 : memref<128x64xf32, #tpu.memory_space<vmem>>) offsets(%dma_start3A_16 : memref<128xi32, #tpu.memory_space<vmem>>) semaphore(%arg16 : memref<!tpu.dma_semaphore, #tpu.memory_space<semaphore_mem>>)
    %dma_start3A_20 = arith.constant 0 : i32
    %dma_start3A_21 = arith.constant 0 : i32
    %dma_start3A_22 = tpu.memref_slice %arg13[%dma_start3A_21] : memref<512xf32, #tpu.memory_space<vmem>> -> memref<128xf32, #tpu.memory_space<vmem>>
    %dma_start3A_23 = arith.constant 0 : i32
    %dma_start3A_24 = tpu.memref_slice %arg9[%dma_start3A_20, %dma_start3A_23] : memref<4x128xi32, #tpu.memory_space<vmem>> -> memref<1x128xi32, #tpu.memory_space<vmem>>
    %dma_start3A_25 = tpu.memref_squeeze %dma_start3A_24 : memref<1x128xi32, #tpu.memory_space<vmem>> -> memref<128xi32, #tpu.memory_space<vmem>>
    %dma_start3A_26 = arith.constant 0 : i32
    %dma_start3A_27 = tpu.memref_slice %arg6[%dma_start3A_26] : memref<1000000xf32, #tpu.memory_space<hbm>> -> memref<1000000xf32, #tpu.memory_space<hbm>>
    tpu.enqueue_indirect_dma source(%dma_start3A_27 : memref<1000000xf32, #tpu.memory_space<hbm>>) target(%dma_start3A_22 : memref<128xf32, #tpu.memory_space<vmem>>) offsets(%dma_start3A_25 : memref<128xi32, #tpu.memory_space<vmem>>) semaphore(%arg16 : memref<!tpu.dma_semaphore, #tpu.memory_space<semaphore_mem>>)
    %dma_start3A_28 = arith.constant 0 : i32
    %dma_start3A_29 = arith.constant 0 : i32
    %dma_start3A_30 = tpu.memref_slice %arg14[%dma_start3A_29] : memref<512xf32, #tpu.memory_space<vmem>> -> memref<128xf32, #tpu.memory_space<vmem>>
    %dma_start3A_31 = arith.constant 0 : i32
    %dma_start3A_32 = tpu.memref_slice %arg10[%dma_start3A_28, %dma_start3A_31] : memref<4x128xi32, #tpu.memory_space<vmem>> -> memref<1x128xi32, #tpu.memory_space<vmem>>
    %dma_start3A_33 = tpu.memref_squeeze %dma_start3A_32 : memref<1x128xi32, #tpu.memory_space<vmem>> -> memref<128xi32, #tpu.memory_space<vmem>>
    %dma_start3A_34 = arith.constant 0 : i32
    %dma_start3A_35 = tpu.memref_slice %arg7[%dma_start3A_34] : memref<1000000xf32, #tpu.memory_space<hbm>> -> memref<1000000xf32, #tpu.memory_space<hbm>>
    tpu.enqueue_indirect_dma source(%dma_start3A_35 : memref<1000000xf32, #tpu.memory_space<hbm>>) target(%dma_start3A_30 : memref<128xf32, #tpu.memory_space<vmem>>) offsets(%dma_start3A_33 : memref<128xi32, #tpu.memory_space<vmem>>) semaphore(%arg16 : memref<!tpu.dma_semaphore, #tpu.memory_space<semaphore_mem>>)
    %dma_start3A_36 = arith.constant 1 : i32
    %dma_start3A_37 = arith.constant 128 : i32
    %dma_start3A_38 = arith.constant 0 : i32
    %dma_start3A_39 = tpu.memref_slice %arg11[%dma_start3A_37, %dma_start3A_38] : memref<512x64xf32, #tpu.memory_space<vmem>> -> memref<128x64xf32, #tpu.memory_space<vmem>>
    %dma_start3A_40 = arith.constant 0 : i32
    %dma_start3A_41 = tpu.memref_slice %arg9[%dma_start3A_36, %dma_start3A_40] : memref<4x128xi32, #tpu.memory_space<vmem>> -> memref<1x128xi32, #tpu.memory_space<vmem>>
    %dma_start3A_42 = tpu.memref_squeeze %dma_start3A_41 : memref<1x128xi32, #tpu.memory_space<vmem>> -> memref<128xi32, #tpu.memory_space<vmem>>
    %dma_start3A_43 = arith.constant 0 : i32
    %dma_start3A_44 = arith.constant 0 : i32
    %dma_start3A_45 = tpu.memref_slice %arg4[%dma_start3A_43, %dma_start3A_44] : memref<1000000x64xf32, #tpu.memory_space<hbm>> -> memref<1000000x64xf32, #tpu.memory_space<hbm>>
    tpu.enqueue_indirect_dma source(%dma_start3A_45 : memref<1000000x64xf32, #tpu.memory_space<hbm>>) target(%dma_start3A_39 : memref<128x64xf32, #tpu.memory_space<vmem>>) offsets(%dma_start3A_42 : memref<128xi32, #tpu.memory_space<vmem>>) semaphore(%arg16 : memref<!tpu.dma_semaphore, #tpu.memory_space<semaphore_mem>>)
    %dma_start3A_46 = arith.constant 1 : i32
    %dma_start3A_47 = arith.constant 128 : i32
    %dma_start3A_48 = arith.constant 0 : i32
    %dma_start3A_49 = tpu.memref_slice %arg12[%dma_start3A_47, %dma_start3A_48] : memref<512x64xf32, #tpu.memory_space<vmem>> -> memref<128x64xf32, #tpu.memory_space<vmem>>
    %dma_start3A_50 = arith.constant 0 : i32
    %dma_start3A_51 = tpu.memref_slice %arg10[%dma_start3A_46, %dma_start3A_50] : memref<4x128xi32, #tpu.memory_space<vmem>> -> memref<1x128xi32, #tpu.memory_space<vmem>>
    %dma_start3A_52 = tpu.memref_squeeze %dma_start3A_51 : memref<1x128xi32, #tpu.memory_space<vmem>> -> memref<128xi32, #tpu.memory_space<vmem>>
    %dma_start3A_53 = arith.constant 0 : i32
    %dma_start3A_54 = arith.constant 0 : i32
    %dma_start3A_55 = tpu.memref_slice %arg5[%dma_start3A_53, %dma_start3A_54] : memref<1000000x64xf32, #tpu.memory_space<hbm>> -> memref<1000000x64xf32, #tpu.memory_space<hbm>>
    tpu.enqueue_indirect_dma source(%dma_start3A_55 : memref<1000000x64xf32, #tpu.memory_space<hbm>>) target(%dma_start3A_49 : memref<128x64xf32, #tpu.memory_space<vmem>>) offsets(%dma_start3A_52 : memref<128xi32, #tpu.memory_space<vmem>>) semaphore(%arg16 : memref<!tpu.dma_semaphore, #tpu.memory_space<semaphore_mem>>)
    %dma_start3A_56 = arith.constant 1 : i32
    %dma_start3A_57 = arith.constant 128 : i32
    %dma_start3A_58 = tpu.memref_slice %arg13[%dma_start3A_57] : memref<512xf32, #tpu.memory_space<vmem>> -> memref<128xf32, #tpu.memory_space<vmem>>
    %dma_start3A_59 = arith.constant 0 : i32
    %dma_start3A_60 = tpu.memref_slice %arg9[%dma_start3A_56, %dma_start3A_59] : memref<4x128xi32, #tpu.memory_space<vmem>> -> memref<1x128xi32, #tpu.memory_space<vmem>>
    %dma_start3A_61 = tpu.memref_squeeze %dma_start3A_60 : memref<1x128xi32, #tpu.memory_space<vmem>> -> memref<128xi32, #tpu.memory_space<vmem>>
    %dma_start3A_62 = arith.constant 0 : i32
    %dma_start3A_63 = tpu.memref_slice %arg6[%dma_start3A_62] : memref<1000000xf32, #tpu.memory_space<hbm>> -> memref<1000000xf32, #tpu.memory_space<hbm>>
    tpu.enqueue_indirect_dma source(%dma_start3A_63 : memref<1000000xf32, #tpu.memory_space<hbm>>) target(%dma_start3A_58 : memref<128xf32, #tpu.memory_space<vmem>>) offsets(%dma_start3A_61 : memref<128xi32, #tpu.memory_space<vmem>>) semaphore(%arg16 : memref<!tpu.dma_semaphore, #tpu.memory_space<semaphore_mem>>)
    %dma_start3A_64 = arith.constant 1 : i32
    %dma_start3A_65 = arith.constant 128 : i32
    %dma_start3A_66 = tpu.memref_slice %arg14[%dma_start3A_65] : memref<512xf32, #tpu.memory_space<vmem>> -> memref<128xf32, #tpu.memory_space<vmem>>
    %dma_start3A_67 = arith.constant 0 : i32
    %dma_start3A_68 = tpu.memref_slice %arg10[%dma_start3A_64, %dma_start3A_67] : memref<4x128xi32, #tpu.memory_space<vmem>> -> memref<1x128xi32, #tpu.memory_space<vmem>>
    %dma_start3A_69 = tpu.memref_squeeze %dma_start3A_68 : memref<1x128xi32, #tpu.memory_space<vmem>> -> memref<128xi32, #tpu.memory_space<vmem>>
    %dma_start3A_70 = arith.constant 0 : i32
    %dma_start3A_71 = tpu.memref_slice %arg7[%dma_start3A_70] : memref<1000000xf32, #tpu.memory_space<hbm>> -> memref<1000000xf32, #tpu.memory_space<hbm>>
    tpu.enqueue_indirect_dma source(%dma_start3A_71 : memref<1000000xf32, #tpu.memory_space<hbm>>) target(%dma_start3A_66 : memref<128xf32, #tpu.memory_space<vmem>>) offsets(%dma_start3A_69 : memref<128xi32, #tpu.memory_space<vmem>>) semaphore(%arg16 : memref<!tpu.dma_semaphore, #tpu.memory_space<semaphore_mem>>)
    %dma_start3A_72 = arith.constant 2 : i32
    %dma_start3A_73 = arith.constant 256 : i32
    %dma_start3A_74 = arith.constant 0 : i32
    %dma_start3A_75 = tpu.memref_slice %arg11[%dma_start3A_73, %dma_start3A_74] : memref<512x64xf32, #tpu.memory_space<vmem>> -> memref<128x64xf32, #tpu.memory_space<vmem>>
    %dma_start3A_76 = arith.constant 0 : i32
    %dma_start3A_77 = tpu.memref_slice %arg9[%dma_start3A_72, %dma_start3A_76] : memref<4x128xi32, #tpu.memory_space<vmem>> -> memref<1x128xi32, #tpu.memory_space<vmem>>
    %dma_start3A_78 = tpu.memref_squeeze %dma_start3A_77 : memref<1x128xi32, #tpu.memory_space<vmem>> -> memref<128xi32, #tpu.memory_space<vmem>>
    %dma_start3A_79 = arith.constant 0 : i32
    %dma_start3A_80 = arith.constant 0 : i32
    %dma_start3A_81 = tpu.memref_slice %arg4[%dma_start3A_79, %dma_start3A_80] : memref<1000000x64xf32, #tpu.memory_space<hbm>> -> memref<1000000x64xf32, #tpu.memory_space<hbm>>
    tpu.enqueue_indirect_dma source(%dma_start3A_81 : memref<1000000x64xf32, #tpu.memory_space<hbm>>) target(%dma_start3A_75 : memref<128x64xf32, #tpu.memory_space<vmem>>) offsets(%dma_start3A_78 : memref<128xi32, #tpu.memory_space<vmem>>) semaphore(%arg16 : memref<!tpu.dma_semaphore, #tpu.memory_space<semaphore_mem>>)
    %dma_start3A_82 = arith.constant 2 : i32
    %dma_start3A_83 = arith.constant 256 : i32
    %dma_start3A_84 = arith.constant 0 : i32
    %dma_start3A_85 = tpu.memref_slice %arg12[%dma_start3A_83, %dma_start3A_84] : memref<512x64xf32, #tpu.memory_space<vmem>> -> memref<128x64xf32, #tpu.memory_space<vmem>>
    %dma_start3A_86 = arith.constant 0 : i32
    %dma_start3A_87 = tpu.memref_slice %arg10[%dma_start3A_82, %dma_start3A_86] : memref<4x128xi32, #tpu.memory_space<vmem>> -> memref<1x128xi32, #tpu.memory_space<vmem>>
    %dma_start3A_88 = tpu.memref_squeeze %dma_start3A_87 : memref<1x128xi32, #tpu.memory_space<vmem>> -> memref<128xi32, #tpu.memory_space<vmem>>
    %dma_start3A_89 = arith.constant 0 : i32
    %dma_start3A_90 = arith.constant 0 : i32
    %dma_start3A_91 = tpu.memref_slice %arg5[%dma_start3A_89, %dma_start3A_90] : memref<1000000x64xf32, #tpu.memory_space<hbm>> -> memref<1000000x64xf32, #tpu.memory_space<hbm>>
    tpu.enqueue_indirect_dma source(%dma_start3A_91 : memref<1000000x64xf32, #tpu.memory_space<hbm>>) target(%dma_start3A_85 : memref<128x64xf32, #tpu.memory_space<vmem>>) offsets(%dma_start3A_88 : memref<128xi32, #tpu.memory_space<vmem>>) semaphore(%arg16 : memref<!tpu.dma_semaphore, #tpu.memory_space<semaphore_mem>>)
    %dma_start3A_92 = arith.constant 2 : i32
    %dma_start3A_93 = arith.constant 256 : i32
    %dma_start3A_94 = tpu.memref_slice %arg13[%dma_start3A_93] : memref<512xf32, #tpu.memory_space<vmem>> -> memref<128xf32, #tpu.memory_space<vmem>>
    %dma_start3A_95 = arith.constant 0 : i32
    %dma_start3A_96 = tpu.memref_slice %arg9[%dma_start3A_92, %dma_start3A_95] : memref<4x128xi32, #tpu.memory_space<vmem>> -> memref<1x128xi32, #tpu.memory_space<vmem>>
    %dma_start3A_97 = tpu.memref_squeeze %dma_start3A_96 : memref<1x128xi32, #tpu.memory_space<vmem>> -> memref<128xi32, #tpu.memory_space<vmem>>
    %dma_start3A_98 = arith.constant 0 : i32
    %dma_start3A_99 = tpu.memref_slice %arg6[%dma_start3A_98] : memref<1000000xf32, #tpu.memory_space<hbm>> -> memref<1000000xf32, #tpu.memory_space<hbm>>
    tpu.enqueue_indirect_dma source(%dma_start3A_99 : memref<1000000xf32, #tpu.memory_space<hbm>>) target(%dma_start3A_94 : memref<128xf32, #tpu.memory_space<vmem>>) offsets(%dma_start3A_97 : memref<128xi32, #tpu.memory_space<vmem>>) semaphore(%arg16 : memref<!tpu.dma_semaphore, #tpu.memory_space<semaphore_mem>>)
    %dma_start3A_100 = arith.constant 2 : i32
    %dma_start3A_101 = arith.constant 256 : i32
    %dma_start3A_102 = tpu.memref_slice %arg14[%dma_start3A_101] : memref<512xf32, #tpu.memory_space<vmem>> -> memref<128xf32, #tpu.memory_space<vmem>>
    %dma_start3A_103 = arith.constant 0 : i32
    %dma_start3A_104 = tpu.memref_slice %arg10[%dma_start3A_100, %dma_start3A_103] : memref<4x128xi32, #tpu.memory_space<vmem>> -> memref<1x128xi32, #tpu.memory_space<vmem>>
    %dma_start3A_105 = tpu.memref_squeeze %dma_start3A_104 : memref<1x128xi32, #tpu.memory_space<vmem>> -> memref<128xi32, #tpu.memory_space<vmem>>
    %dma_start3A_106 = arith.constant 0 : i32
    %dma_start3A_107 = tpu.memref_slice %arg7[%dma_start3A_106] : memref<1000000xf32, #tpu.memory_space<hbm>> -> memref<1000000xf32, #tpu.memory_space<hbm>>
    tpu.enqueue_indirect_dma source(%dma_start3A_107 : memref<1000000xf32, #tpu.memory_space<hbm>>) target(%dma_start3A_102 : memref<128xf32, #tpu.memory_space<vmem>>) offsets(%dma_start3A_105 : memref<128xi32, #tpu.memory_space<vmem>>) semaphore(%arg16 : memref<!tpu.dma_semaphore, #tpu.memory_space<semaphore_mem>>)
    %dma_start3A_108 = arith.constant 3 : i32
    %dma_start3A_109 = arith.constant 384 : i32
    %dma_start3A_110 = arith.constant 0 : i32
    %dma_start3A_111 = tpu.memref_slice %arg11[%dma_start3A_109, %dma_start3A_110] : memref<512x64xf32, #tpu.memory_space<vmem>> -> memref<128x64xf32, #tpu.memory_space<vmem>>
    %dma_start3A_112 = arith.constant 0 : i32
    %dma_start3A_113 = tpu.memref_slice %arg9[%dma_start3A_108, %dma_start3A_112] : memref<4x128xi32, #tpu.memory_space<vmem>> -> memref<1x128xi32, #tpu.memory_space<vmem>>
    %dma_start3A_114 = tpu.memref_squeeze %dma_start3A_113 : memref<1x128xi32, #tpu.memory_space<vmem>> -> memref<128xi32, #tpu.memory_space<vmem>>
    %dma_start3A_115 = arith.constant 0 : i32
    %dma_start3A_116 = arith.constant 0 : i32
    %dma_start3A_117 = tpu.memref_slice %arg4[%dma_start3A_115, %dma_start3A_116] : memref<1000000x64xf32, #tpu.memory_space<hbm>> -> memref<1000000x64xf32, #tpu.memory_space<hbm>>
    tpu.enqueue_indirect_dma source(%dma_start3A_117 : memref<1000000x64xf32, #tpu.memory_space<hbm>>) target(%dma_start3A_111 : memref<128x64xf32, #tpu.memory_space<vmem>>) offsets(%dma_start3A_114 : memref<128xi32, #tpu.memory_space<vmem>>) semaphore(%arg16 : memref<!tpu.dma_semaphore, #tpu.memory_space<semaphore_mem>>)
    %dma_start3A_118 = arith.constant 3 : i32
    %dma_start3A_119 = arith.constant 384 : i32
    %dma_start3A_120 = arith.constant 0 : i32
    %dma_start3A_121 = tpu.memref_slice %arg12[%dma_start3A_119, %dma_start3A_120] : memref<512x64xf32, #tpu.memory_space<vmem>> -> memref<128x64xf32, #tpu.memory_space<vmem>>
    %dma_start3A_122 = arith.constant 0 : i32
    %dma_start3A_123 = tpu.memref_slice %arg10[%dma_start3A_118, %dma_start3A_122] : memref<4x128xi32, #tpu.memory_space<vmem>> -> memref<1x128xi32, #tpu.memory_space<vmem>>
    %dma_start3A_124 = tpu.memref_squeeze %dma_start3A_123 : memref<1x128xi32, #tpu.memory_space<vmem>> -> memref<128xi32, #tpu.memory_space<vmem>>
    %dma_start3A_125 = arith.constant 0 : i32
    %dma_start3A_126 = arith.constant 0 : i32
    %dma_start3A_127 = tpu.memref_slice %arg5[%dma_start3A_125, %dma_start3A_126] : memref<1000000x64xf32, #tpu.memory_space<hbm>> -> memref<1000000x64xf32, #tpu.memory_space<hbm>>
    tpu.enqueue_indirect_dma source(%dma_start3A_127 : memref<1000000x64xf32, #tpu.memory_space<hbm>>) target(%dma_start3A_121 : memref<128x64xf32, #tpu.memory_space<vmem>>) offsets(%dma_start3A_124 : memref<128xi32, #tpu.memory_space<vmem>>) semaphore(%arg16 : memref<!tpu.dma_semaphore, #tpu.memory_space<semaphore_mem>>)
    %dma_start3A_128 = arith.constant 3 : i32
    %dma_start3A_129 = arith.constant 384 : i32
    %dma_start3A_130 = tpu.memref_slice %arg13[%dma_start3A_129] : memref<512xf32, #tpu.memory_space<vmem>> -> memref<128xf32, #tpu.memory_space<vmem>>
    %dma_start3A_131 = arith.constant 0 : i32
    %dma_start3A_132 = tpu.memref_slice %arg9[%dma_start3A_128, %dma_start3A_131] : memref<4x128xi32, #tpu.memory_space<vmem>> -> memref<1x128xi32, #tpu.memory_space<vmem>>
    %dma_start3A_133 = tpu.memref_squeeze %dma_start3A_132 : memref<1x128xi32, #tpu.memory_space<vmem>> -> memref<128xi32, #tpu.memory_space<vmem>>
    %dma_start3A_134 = arith.constant 0 : i32
    %dma_start3A_135 = tpu.memref_slice %arg6[%dma_start3A_134] : memref<1000000xf32, #tpu.memory_space<hbm>> -> memref<1000000xf32, #tpu.memory_space<hbm>>
    tpu.enqueue_indirect_dma source(%dma_start3A_135 : memref<1000000xf32, #tpu.memory_space<hbm>>) target(%dma_start3A_130 : memref<128xf32, #tpu.memory_space<vmem>>) offsets(%dma_start3A_133 : memref<128xi32, #tpu.memory_space<vmem>>) semaphore(%arg16 : memref<!tpu.dma_semaphore, #tpu.memory_space<semaphore_mem>>)
    %dma_start3A_136 = arith.constant 3 : i32
    %dma_start3A_137 = arith.constant 384 : i32
    %dma_start3A_138 = tpu.memref_slice %arg14[%dma_start3A_137] : memref<512xf32, #tpu.memory_space<vmem>> -> memref<128xf32, #tpu.memory_space<vmem>>
    %dma_start3A_139 = arith.constant 0 : i32
    %dma_start3A_140 = tpu.memref_slice %arg10[%dma_start3A_136, %dma_start3A_139] : memref<4x128xi32, #tpu.memory_space<vmem>> -> memref<1x128xi32, #tpu.memory_space<vmem>>
    %dma_start3A_141 = tpu.memref_squeeze %dma_start3A_140 : memref<1x128xi32, #tpu.memory_space<vmem>> -> memref<128xi32, #tpu.memory_space<vmem>>
    %dma_start3A_142 = arith.constant 0 : i32
    %dma_start3A_143 = tpu.memref_slice %arg7[%dma_start3A_142] : memref<1000000xf32, #tpu.memory_space<hbm>> -> memref<1000000xf32, #tpu.memory_space<hbm>>
    tpu.enqueue_indirect_dma source(%dma_start3A_143 : memref<1000000xf32, #tpu.memory_space<hbm>>) target(%dma_start3A_138 : memref<128xf32, #tpu.memory_space<vmem>>) offsets(%dma_start3A_141 : memref<128xi32, #tpu.memory_space<vmem>>) semaphore(%arg16 : memref<!tpu.dma_semaphore, #tpu.memory_space<semaphore_mem>>)
    %dma_wait3A = arith.constant 0 : i32
    %dma_wait3A_144 = arith.constant 0 : i32
    %dma_wait3A_145 = arith.constant 0 : i32
    %dma_wait3A_146 = tpu.memref_slice %arg11[%dma_wait3A_144, %dma_wait3A_145] : memref<512x64xf32, #tpu.memory_space<vmem>> -> memref<128x64xf32, #tpu.memory_space<vmem>>
    %dma_wait3A_147 = arith.constant 0 : i32
    %dma_wait3A_148 = tpu.memref_slice %arg9[%dma_wait3A, %dma_wait3A_147] : memref<4x128xi32, #tpu.memory_space<vmem>> -> memref<1x128xi32, #tpu.memory_space<vmem>>
    %dma_wait3A_149 = tpu.memref_squeeze %dma_wait3A_148 : memref<1x128xi32, #tpu.memory_space<vmem>> -> memref<128xi32, #tpu.memory_space<vmem>>
    %dma_wait3A_150 = arith.constant 0 : i32
    %dma_wait3A_151 = arith.constant 0 : i32
    %dma_wait3A_152 = tpu.memref_slice %arg4[%dma_wait3A_150, %dma_wait3A_151] : memref<1000000x64xf32, #tpu.memory_space<hbm>> -> memref<1000000x64xf32, #tpu.memory_space<hbm>>
    tpu.wait_indirect_dma semaphore(%arg16 : memref<!tpu.dma_semaphore, #tpu.memory_space<semaphore_mem>>) src(%dma_wait3A_152 : memref<1000000x64xf32, #tpu.memory_space<hbm>>) dst(%dma_wait3A_146 : memref<128x64xf32, #tpu.memory_space<vmem>>)
    %dma_wait3A_153 = arith.constant 0 : i32
    %dma_wait3A_154 = arith.constant 0 : i32
    %dma_wait3A_155 = arith.constant 0 : i32
    %dma_wait3A_156 = tpu.memref_slice %arg12[%dma_wait3A_154, %dma_wait3A_155] : memref<512x64xf32, #tpu.memory_space<vmem>> -> memref<128x64xf32, #tpu.memory_space<vmem>>
    %dma_wait3A_157 = arith.constant 0 : i32
    %dma_wait3A_158 = tpu.memref_slice %arg10[%dma_wait3A_153, %dma_wait3A_157] : memref<4x128xi32, #tpu.memory_space<vmem>> -> memref<1x128xi32, #tpu.memory_space<vmem>>
    %dma_wait3A_159 = tpu.memref_squeeze %dma_wait3A_158 : memref<1x128xi32, #tpu.memory_space<vmem>> -> memref<128xi32, #tpu.memory_space<vmem>>
    %dma_wait3A_160 = arith.constant 0 : i32
    %dma_wait3A_161 = arith.constant 0 : i32
    %dma_wait3A_162 = tpu.memref_slice %arg5[%dma_wait3A_160, %dma_wait3A_161] : memref<1000000x64xf32, #tpu.memory_space<hbm>> -> memref<1000000x64xf32, #tpu.memory_space<hbm>>
    tpu.wait_indirect_dma semaphore(%arg16 : memref<!tpu.dma_semaphore, #tpu.memory_space<semaphore_mem>>) src(%dma_wait3A_162 : memref<1000000x64xf32, #tpu.memory_space<hbm>>) dst(%dma_wait3A_156 : memref<128x64xf32, #tpu.memory_space<vmem>>)
    %dma_wait3A_163 = arith.constant 0 : i32
    %dma_wait3A_164 = arith.constant 0 : i32
    %dma_wait3A_165 = tpu.memref_slice %arg13[%dma_wait3A_164] : memref<512xf32, #tpu.memory_space<vmem>> -> memref<128xf32, #tpu.memory_space<vmem>>
    %dma_wait3A_166 = arith.constant 0 : i32
    %dma_wait3A_167 = tpu.memref_slice %arg9[%dma_wait3A_163, %dma_wait3A_166] : memref<4x128xi32, #tpu.memory_space<vmem>> -> memref<1x128xi32, #tpu.memory_space<vmem>>
    %dma_wait3A_168 = tpu.memref_squeeze %dma_wait3A_167 : memref<1x128xi32, #tpu.memory_space<vmem>> -> memref<128xi32, #tpu.memory_space<vmem>>
    %dma_wait3A_169 = arith.constant 0 : i32
    %dma_wait3A_170 = tpu.memref_slice %arg6[%dma_wait3A_169] : memref<1000000xf32, #tpu.memory_space<hbm>> -> memref<1000000xf32, #tpu.memory_space<hbm>>
    tpu.wait_indirect_dma semaphore(%arg16 : memref<!tpu.dma_semaphore, #tpu.memory_space<semaphore_mem>>) src(%dma_wait3A_170 : memref<1000000xf32, #tpu.memory_space<hbm>>) dst(%dma_wait3A_165 : memref<128xf32, #tpu.memory_space<vmem>>)
    %dma_wait3A_171 = arith.constant 0 : i32
    %dma_wait3A_172 = arith.constant 0 : i32
    %dma_wait3A_173 = tpu.memref_slice %arg14[%dma_wait3A_172] : memref<512xf32, #tpu.memory_space<vmem>> -> memref<128xf32, #tpu.memory_space<vmem>>
    %dma_wait3A_174 = arith.constant 0 : i32
    %dma_wait3A_175 = tpu.memref_slice %arg10[%dma_wait3A_171, %dma_wait3A_174] : memref<4x128xi32, #tpu.memory_space<vmem>> -> memref<1x128xi32, #tpu.memory_space<vmem>>
    %dma_wait3A_176 = tpu.memref_squeeze %dma_wait3A_175 : memref<1x128xi32, #tpu.memory_space<vmem>> -> memref<128xi32, #tpu.memory_space<vmem>>
    %dma_wait3A_177 = arith.constant 0 : i32
    %dma_wait3A_178 = tpu.memref_slice %arg7[%dma_wait3A_177] : memref<1000000xf32, #tpu.memory_space<hbm>> -> memref<1000000xf32, #tpu.memory_space<hbm>>
    tpu.wait_indirect_dma semaphore(%arg16 : memref<!tpu.dma_semaphore, #tpu.memory_space<semaphore_mem>>) src(%dma_wait3A_178 : memref<1000000xf32, #tpu.memory_space<hbm>>) dst(%dma_wait3A_173 : memref<128xf32, #tpu.memory_space<vmem>>)
    %dma_wait3A_179 = arith.constant 1 : i32
    %dma_wait3A_180 = arith.constant 128 : i32
    %dma_wait3A_181 = arith.constant 0 : i32
    %dma_wait3A_182 = tpu.memref_slice %arg11[%dma_wait3A_180, %dma_wait3A_181] : memref<512x64xf32, #tpu.memory_space<vmem>> -> memref<128x64xf32, #tpu.memory_space<vmem>>
    %dma_wait3A_183 = arith.constant 0 : i32
    %dma_wait3A_184 = tpu.memref_slice %arg9[%dma_wait3A_179, %dma_wait3A_183] : memref<4x128xi32, #tpu.memory_space<vmem>> -> memref<1x128xi32, #tpu.memory_space<vmem>>
    %dma_wait3A_185 = tpu.memref_squeeze %dma_wait3A_184 : memref<1x128xi32, #tpu.memory_space<vmem>> -> memref<128xi32, #tpu.memory_space<vmem>>
    %dma_wait3A_186 = arith.constant 0 : i32
    %dma_wait3A_187 = arith.constant 0 : i32
    %dma_wait3A_188 = tpu.memref_slice %arg4[%dma_wait3A_186, %dma_wait3A_187] : memref<1000000x64xf32, #tpu.memory_space<hbm>> -> memref<1000000x64xf32, #tpu.memory_space<hbm>>
    tpu.wait_indirect_dma semaphore(%arg16 : memref<!tpu.dma_semaphore, #tpu.memory_space<semaphore_mem>>) src(%dma_wait3A_188 : memref<1000000x64xf32, #tpu.memory_space<hbm>>) dst(%dma_wait3A_182 : memref<128x64xf32, #tpu.memory_space<vmem>>)
    %dma_wait3A_189 = arith.constant 1 : i32
    %dma_wait3A_190 = arith.constant 128 : i32
    %dma_wait3A_191 = arith.constant 0 : i32
    %dma_wait3A_192 = tpu.memref_slice %arg12[%dma_wait3A_190, %dma_wait3A_191] : memref<512x64xf32, #tpu.memory_space<vmem>> -> memref<128x64xf32, #tpu.memory_space<vmem>>
    %dma_wait3A_193 = arith.constant 0 : i32
    %dma_wait3A_194 = tpu.memref_slice %arg10[%dma_wait3A_189, %dma_wait3A_193] : memref<4x128xi32, #tpu.memory_space<vmem>> -> memref<1x128xi32, #tpu.memory_space<vmem>>
    %dma_wait3A_195 = tpu.memref_squeeze %dma_wait3A_194 : memref<1x128xi32, #tpu.memory_space<vmem>> -> memref<128xi32, #tpu.memory_space<vmem>>
    %dma_wait3A_196 = arith.constant 0 : i32
    %dma_wait3A_197 = arith.constant 0 : i32
    %dma_wait3A_198 = tpu.memref_slice %arg5[%dma_wait3A_196, %dma_wait3A_197] : memref<1000000x64xf32, #tpu.memory_space<hbm>> -> memref<1000000x64xf32, #tpu.memory_space<hbm>>
    tpu.wait_indirect_dma semaphore(%arg16 : memref<!tpu.dma_semaphore, #tpu.memory_space<semaphore_mem>>) src(%dma_wait3A_198 : memref<1000000x64xf32, #tpu.memory_space<hbm>>) dst(%dma_wait3A_192 : memref<128x64xf32, #tpu.memory_space<vmem>>)
    %dma_wait3A_199 = arith.constant 1 : i32
    %dma_wait3A_200 = arith.constant 128 : i32
    %dma_wait3A_201 = tpu.memref_slice %arg13[%dma_wait3A_200] : memref<512xf32, #tpu.memory_space<vmem>> -> memref<128xf32, #tpu.memory_space<vmem>>
    %dma_wait3A_202 = arith.constant 0 : i32
    %dma_wait3A_203 = tpu.memref_slice %arg9[%dma_wait3A_199, %dma_wait3A_202] : memref<4x128xi32, #tpu.memory_space<vmem>> -> memref<1x128xi32, #tpu.memory_space<vmem>>
    %dma_wait3A_204 = tpu.memref_squeeze %dma_wait3A_203 : memref<1x128xi32, #tpu.memory_space<vmem>> -> memref<128xi32, #tpu.memory_space<vmem>>
    %dma_wait3A_205 = arith.constant 0 : i32
    %dma_wait3A_206 = tpu.memref_slice %arg6[%dma_wait3A_205] : memref<1000000xf32, #tpu.memory_space<hbm>> -> memref<1000000xf32, #tpu.memory_space<hbm>>
    tpu.wait_indirect_dma semaphore(%arg16 : memref<!tpu.dma_semaphore, #tpu.memory_space<semaphore_mem>>) src(%dma_wait3A_206 : memref<1000000xf32, #tpu.memory_space<hbm>>) dst(%dma_wait3A_201 : memref<128xf32, #tpu.memory_space<vmem>>)
    %dma_wait3A_207 = arith.constant 1 : i32
    %dma_wait3A_208 = arith.constant 128 : i32
    %dma_wait3A_209 = tpu.memref_slice %arg14[%dma_wait3A_208] : memref<512xf32, #tpu.memory_space<vmem>> -> memref<128xf32, #tpu.memory_space<vmem>>
    %dma_wait3A_210 = arith.constant 0 : i32
    %dma_wait3A_211 = tpu.memref_slice %arg10[%dma_wait3A_207, %dma_wait3A_210] : memref<4x128xi32, #tpu.memory_space<vmem>> -> memref<1x128xi32, #tpu.memory_space<vmem>>
    %dma_wait3A_212 = tpu.memref_squeeze %dma_wait3A_211 : memref<1x128xi32, #tpu.memory_space<vmem>> -> memref<128xi32, #tpu.memory_space<vmem>>
    %dma_wait3A_213 = arith.constant 0 : i32
    %dma_wait3A_214 = tpu.memref_slice %arg7[%dma_wait3A_213] : memref<1000000xf32, #tpu.memory_space<hbm>> -> memref<1000000xf32, #tpu.memory_space<hbm>>
    tpu.wait_indirect_dma semaphore(%arg16 : memref<!tpu.dma_semaphore, #tpu.memory_space<semaphore_mem>>) src(%dma_wait3A_214 : memref<1000000xf32, #tpu.memory_space<hbm>>) dst(%dma_wait3A_209 : memref<128xf32, #tpu.memory_space<vmem>>)
    %dma_wait3A_215 = arith.constant 2 : i32
    %dma_wait3A_216 = arith.constant 256 : i32
    %dma_wait3A_217 = arith.constant 0 : i32
    %dma_wait3A_218 = tpu.memref_slice %arg11[%dma_wait3A_216, %dma_wait3A_217] : memref<512x64xf32, #tpu.memory_space<vmem>> -> memref<128x64xf32, #tpu.memory_space<vmem>>
    %dma_wait3A_219 = arith.constant 0 : i32
    %dma_wait3A_220 = tpu.memref_slice %arg9[%dma_wait3A_215, %dma_wait3A_219] : memref<4x128xi32, #tpu.memory_space<vmem>> -> memref<1x128xi32, #tpu.memory_space<vmem>>
    %dma_wait3A_221 = tpu.memref_squeeze %dma_wait3A_220 : memref<1x128xi32, #tpu.memory_space<vmem>> -> memref<128xi32, #tpu.memory_space<vmem>>
    %dma_wait3A_222 = arith.constant 0 : i32
    %dma_wait3A_223 = arith.constant 0 : i32
    %dma_wait3A_224 = tpu.memref_slice %arg4[%dma_wait3A_222, %dma_wait3A_223] : memref<1000000x64xf32, #tpu.memory_space<hbm>> -> memref<1000000x64xf32, #tpu.memory_space<hbm>>
    tpu.wait_indirect_dma semaphore(%arg16 : memref<!tpu.dma_semaphore, #tpu.memory_space<semaphore_mem>>) src(%dma_wait3A_224 : memref<1000000x64xf32, #tpu.memory_space<hbm>>) dst(%dma_wait3A_218 : memref<128x64xf32, #tpu.memory_space<vmem>>)
    %dma_wait3A_225 = arith.constant 2 : i32
    %dma_wait3A_226 = arith.constant 256 : i32
    %dma_wait3A_227 = arith.constant 0 : i32
    %dma_wait3A_228 = tpu.memref_slice %arg12[%dma_wait3A_226, %dma_wait3A_227] : memref<512x64xf32, #tpu.memory_space<vmem>> -> memref<128x64xf32, #tpu.memory_space<vmem>>
    %dma_wait3A_229 = arith.constant 0 : i32
    %dma_wait3A_230 = tpu.memref_slice %arg10[%dma_wait3A_225, %dma_wait3A_229] : memref<4x128xi32, #tpu.memory_space<vmem>> -> memref<1x128xi32, #tpu.memory_space<vmem>>
    %dma_wait3A_231 = tpu.memref_squeeze %dma_wait3A_230 : memref<1x128xi32, #tpu.memory_space<vmem>> -> memref<128xi32, #tpu.memory_space<vmem>>
    %dma_wait3A_232 = arith.constant 0 : i32
    %dma_wait3A_233 = arith.constant 0 : i32
    %dma_wait3A_234 = tpu.memref_slice %arg5[%dma_wait3A_232, %dma_wait3A_233] : memref<1000000x64xf32, #tpu.memory_space<hbm>> -> memref<1000000x64xf32, #tpu.memory_space<hbm>>
    tpu.wait_indirect_dma semaphore(%arg16 : memref<!tpu.dma_semaphore, #tpu.memory_space<semaphore_mem>>) src(%dma_wait3A_234 : memref<1000000x64xf32, #tpu.memory_space<hbm>>) dst(%dma_wait3A_228 : memref<128x64xf32, #tpu.memory_space<vmem>>)
    %dma_wait3A_235 = arith.constant 2 : i32
    %dma_wait3A_236 = arith.constant 256 : i32
    %dma_wait3A_237 = tpu.memref_slice %arg13[%dma_wait3A_236] : memref<512xf32, #tpu.memory_space<vmem>> -> memref<128xf32, #tpu.memory_space<vmem>>
    %dma_wait3A_238 = arith.constant 0 : i32
    %dma_wait3A_239 = tpu.memref_slice %arg9[%dma_wait3A_235, %dma_wait3A_238] : memref<4x128xi32, #tpu.memory_space<vmem>> -> memref<1x128xi32, #tpu.memory_space<vmem>>
    %dma_wait3A_240 = tpu.memref_squeeze %dma_wait3A_239 : memref<1x128xi32, #tpu.memory_space<vmem>> -> memref<128xi32, #tpu.memory_space<vmem>>
    %dma_wait3A_241 = arith.constant 0 : i32
    %dma_wait3A_242 = tpu.memref_slice %arg6[%dma_wait3A_241] : memref<1000000xf32, #tpu.memory_space<hbm>> -> memref<1000000xf32, #tpu.memory_space<hbm>>
    tpu.wait_indirect_dma semaphore(%arg16 : memref<!tpu.dma_semaphore, #tpu.memory_space<semaphore_mem>>) src(%dma_wait3A_242 : memref<1000000xf32, #tpu.memory_space<hbm>>) dst(%dma_wait3A_237 : memref<128xf32, #tpu.memory_space<vmem>>)
    %dma_wait3A_243 = arith.constant 2 : i32
    %dma_wait3A_244 = arith.constant 256 : i32
    %dma_wait3A_245 = tpu.memref_slice %arg14[%dma_wait3A_244] : memref<512xf32, #tpu.memory_space<vmem>> -> memref<128xf32, #tpu.memory_space<vmem>>
    %dma_wait3A_246 = arith.constant 0 : i32
    %dma_wait3A_247 = tpu.memref_slice %arg10[%dma_wait3A_243, %dma_wait3A_246] : memref<4x128xi32, #tpu.memory_space<vmem>> -> memref<1x128xi32, #tpu.memory_space<vmem>>
    %dma_wait3A_248 = tpu.memref_squeeze %dma_wait3A_247 : memref<1x128xi32, #tpu.memory_space<vmem>> -> memref<128xi32, #tpu.memory_space<vmem>>
    %dma_wait3A_249 = arith.constant 0 : i32
    %dma_wait3A_250 = tpu.memref_slice %arg7[%dma_wait3A_249] : memref<1000000xf32, #tpu.memory_space<hbm>> -> memref<1000000xf32, #tpu.memory_space<hbm>>
    tpu.wait_indirect_dma semaphore(%arg16 : memref<!tpu.dma_semaphore, #tpu.memory_space<semaphore_mem>>) src(%dma_wait3A_250 : memref<1000000xf32, #tpu.memory_space<hbm>>) dst(%dma_wait3A_245 : memref<128xf32, #tpu.memory_space<vmem>>)
    %dma_wait3A_251 = arith.constant 3 : i32
    %dma_wait3A_252 = arith.constant 384 : i32
    %dma_wait3A_253 = arith.constant 0 : i32
    %dma_wait3A_254 = tpu.memref_slice %arg11[%dma_wait3A_252, %dma_wait3A_253] : memref<512x64xf32, #tpu.memory_space<vmem>> -> memref<128x64xf32, #tpu.memory_space<vmem>>
    %dma_wait3A_255 = arith.constant 0 : i32
    %dma_wait3A_256 = tpu.memref_slice %arg9[%dma_wait3A_251, %dma_wait3A_255] : memref<4x128xi32, #tpu.memory_space<vmem>> -> memref<1x128xi32, #tpu.memory_space<vmem>>
    %dma_wait3A_257 = tpu.memref_squeeze %dma_wait3A_256 : memref<1x128xi32, #tpu.memory_space<vmem>> -> memref<128xi32, #tpu.memory_space<vmem>>
    %dma_wait3A_258 = arith.constant 0 : i32
    %dma_wait3A_259 = arith.constant 0 : i32
    %dma_wait3A_260 = tpu.memref_slice %arg4[%dma_wait3A_258, %dma_wait3A_259] : memref<1000000x64xf32, #tpu.memory_space<hbm>> -> memref<1000000x64xf32, #tpu.memory_space<hbm>>
    tpu.wait_indirect_dma semaphore(%arg16 : memref<!tpu.dma_semaphore, #tpu.memory_space<semaphore_mem>>) src(%dma_wait3A_260 : memref<1000000x64xf32, #tpu.memory_space<hbm>>) dst(%dma_wait3A_254 : memref<128x64xf32, #tpu.memory_space<vmem>>)
    %dma_wait3A_261 = arith.constant 3 : i32
    %dma_wait3A_262 = arith.constant 384 : i32
    %dma_wait3A_263 = arith.constant 0 : i32
    %dma_wait3A_264 = tpu.memref_slice %arg12[%dma_wait3A_262, %dma_wait3A_263] : memref<512x64xf32, #tpu.memory_space<vmem>> -> memref<128x64xf32, #tpu.memory_space<vmem>>
    %dma_wait3A_265 = arith.constant 0 : i32
    %dma_wait3A_266 = tpu.memref_slice %arg10[%dma_wait3A_261, %dma_wait3A_265] : memref<4x128xi32, #tpu.memory_space<vmem>> -> memref<1x128xi32, #tpu.memory_space<vmem>>
    %dma_wait3A_267 = tpu.memref_squeeze %dma_wait3A_266 : memref<1x128xi32, #tpu.memory_space<vmem>> -> memref<128xi32, #tpu.memory_space<vmem>>
    %dma_wait3A_268 = arith.constant 0 : i32
    %dma_wait3A_269 = arith.constant 0 : i32
    %dma_wait3A_270 = tpu.memref_slice %arg5[%dma_wait3A_268, %dma_wait3A_269] : memref<1000000x64xf32, #tpu.memory_space<hbm>> -> memref<1000000x64xf32, #tpu.memory_space<hbm>>
    tpu.wait_indirect_dma semaphore(%arg16 : memref<!tpu.dma_semaphore, #tpu.memory_space<semaphore_mem>>) src(%dma_wait3A_270 : memref<1000000x64xf32, #tpu.memory_space<hbm>>) dst(%dma_wait3A_264 : memref<128x64xf32, #tpu.memory_space<vmem>>)
    %dma_wait3A_271 = arith.constant 3 : i32
    %dma_wait3A_272 = arith.constant 384 : i32
    %dma_wait3A_273 = tpu.memref_slice %arg13[%dma_wait3A_272] : memref<512xf32, #tpu.memory_space<vmem>> -> memref<128xf32, #tpu.memory_space<vmem>>
    %dma_wait3A_274 = arith.constant 0 : i32
    %dma_wait3A_275 = tpu.memref_slice %arg9[%dma_wait3A_271, %dma_wait3A_274] : memref<4x128xi32, #tpu.memory_space<vmem>> -> memref<1x128xi32, #tpu.memory_space<vmem>>
    %dma_wait3A_276 = tpu.memref_squeeze %dma_wait3A_275 : memref<1x128xi32, #tpu.memory_space<vmem>> -> memref<128xi32, #tpu.memory_space<vmem>>
    %dma_wait3A_277 = arith.constant 0 : i32
    %dma_wait3A_278 = tpu.memref_slice %arg6[%dma_wait3A_277] : memref<1000000xf32, #tpu.memory_space<hbm>> -> memref<1000000xf32, #tpu.memory_space<hbm>>
    tpu.wait_indirect_dma semaphore(%arg16 : memref<!tpu.dma_semaphore, #tpu.memory_space<semaphore_mem>>) src(%dma_wait3A_278 : memref<1000000xf32, #tpu.memory_space<hbm>>) dst(%dma_wait3A_273 : memref<128xf32, #tpu.memory_space<vmem>>)
    %dma_wait3A_279 = arith.constant 3 : i32
    %dma_wait3A_280 = arith.constant 384 : i32
    %dma_wait3A_281 = tpu.memref_slice %arg14[%dma_wait3A_280] : memref<512xf32, #tpu.memory_space<vmem>> -> memref<128xf32, #tpu.memory_space<vmem>>
    %dma_wait3A_282 = arith.constant 0 : i32
    %dma_wait3A_283 = tpu.memref_slice %arg10[%dma_wait3A_279, %dma_wait3A_282] : memref<4x128xi32, #tpu.memory_space<vmem>> -> memref<1x128xi32, #tpu.memory_space<vmem>>
    %dma_wait3A_284 = tpu.memref_squeeze %dma_wait3A_283 : memref<1x128xi32, #tpu.memory_space<vmem>> -> memref<128xi32, #tpu.memory_space<vmem>>
    %dma_wait3A_285 = arith.constant 0 : i32
    %dma_wait3A_286 = tpu.memref_slice %arg7[%dma_wait3A_285] : memref<1000000xf32, #tpu.memory_space<hbm>> -> memref<1000000xf32, #tpu.memory_space<hbm>>
    tpu.wait_indirect_dma semaphore(%arg16 : memref<!tpu.dma_semaphore, #tpu.memory_space<semaphore_mem>>) src(%dma_wait3A_286 : memref<1000000xf32, #tpu.memory_space<hbm>>) dst(%dma_wait3A_281 : memref<128xf32, #tpu.memory_space<vmem>>)
    %scan3A = arith.constant 0 : i32
    %scan3A_287 = arith.constant 0 : i32
    %scan3A_288 = arith.constant 32 : i32
    %scan3A_289 = arith.addi %scan3A_287, %scan3A_288 : i32
    %scan3A_290 = arith.constant 1 : i32
    scf.for %scan3A_294 = %scan3A_287 to %scan3A_289 step %scan3A_290  : i32 {
      %mul3A_295 = arith.constant 16 : i32
      %mul3A_296 = arith.muli %scan3A_294, %mul3A_295 : i32
      %iota3A = tpu.iota {dimensions = array<i32: 0>} : vector<16xi32>
      %add3A_297 = vector.broadcast %mul3A_296 : i32 to vector<16xi32>
      %add3A_298 = arith.addi %add3A_297, %iota3A : vector<16xi32>
      %mul3A_299 = arith.constant 16 : i32
      %mul3A_300 = arith.muli %scan3A_294, %mul3A_299 : i32
      %get3A = arith.index_cast %mul3A_300 : i32 to index
      %get3A_301 = tpu.vector_load %arg13[%get3A] {strides = array<i32>} : memref<512xf32, #tpu.memory_space<vmem>>, vector<16xf32>,
      %mul3A_302 = arith.constant 16 : i32
      %mul3A_303 = arith.muli %scan3A_294, %mul3A_302 : i32
      %get3A_304 = arith.index_cast %mul3A_303 : i32 to index
      %get3A_305 = tpu.vector_load %arg14[%get3A_304] {strides = array<i32>} : memref<512xf32, #tpu.memory_space<vmem>>, vector<16xf32>,
      %add3A_306 = arith.addf %get3A_301, %get3A_305 : vector<16xf32>
      %scan3A_307 = arith.constant 0 : i32
      %scan3A_308 = arith.constant 64 : i32
      %scan3A_309 = arith.addi %scan3A_307, %scan3A_308 : i32
      %scan3A_310 = arith.constant 1 : i32
      %scan3A_311 = scf.for %scan3A_316 = %scan3A_307 to %scan3A_309 step %scan3A_310 iter_args(%scan3A_317 = %add3A_306) -> (vector<16xf32>)  : i32 {
        %broadcast_in_dim3A = vector.broadcast %scan3A_316 : i32 to vector<16xi32>
        %gather3A = tpu.vector_load_idx %arg11[%add3A_298, %broadcast_in_dim3A] : memref<512x64xf32, #tpu.memory_space<vmem>>[vector<16xi32>, vector<16xi32>], vector<16xf32>,
        %gather3A_318 = tpu.vector_load_idx %arg12[%add3A_298, %broadcast_in_dim3A] : memref<512x64xf32, #tpu.memory_space<vmem>>[vector<16xi32>, vector<16xi32>], vector<16xf32>,
        %mul3A_319 = arith.mulf %gather3A, %gather3A_318 : vector<16xf32>
        %add3A_320 = arith.addf %scan3A_317, %mul3A_319 : vector<16xf32>
        scf.yield %add3A_320 : vector<16xf32>
      }
      %scan3A_312 = arith.constant 64 : i32
      %mul3A_313 = arith.constant 16 : i32
      %mul3A_314 = arith.muli %scan3A_294, %mul3A_313 : i32
      %swap3A = arith.index_cast %mul3A_314 : i32 to index
      %swap3A_315 = tpu.vector_load %arg15[%swap3A] {strides = array<i32>} : memref<512xf32, #tpu.memory_space<vmem>>, vector<16xf32>,
      tpu.vector_store %arg15[%swap3A], %scan3A_311 {strides = array<i32>} : memref<512xf32, #tpu.memory_space<vmem>>, vector<16xf32>,
    }
    %scan3A_291 = arith.constant 32 : i32
    %mul3A_292 = arith.constant 512 : i32
    %mul3A_293 = arith.muli %add3A, %mul3A_292 : i32
    "tpu.region"() ({
      %run_scoped3A = tpu.sem_alloc : memref<!tpu.dma_semaphore, #tpu.memory_space<semaphore_mem>>
      %dma_start3A_294 = tpu.memref_slice %arg8[%mul3A_293] : memref<16384xf32, #tpu.memory_space<hbm>> -> memref<512xf32, #tpu.memory_space<hbm>>
      %dma_start3A_295 = tpu.memref_slice %arg8[%mul3A_293] : memref<16384xf32, #tpu.memory_space<hbm>> -> memref<512xf32, #tpu.memory_space<hbm>>
      tpu.enqueue_dma source(%arg15 : memref<512xf32, #tpu.memory_space<vmem>>) target(%dma_start3A_295 : memref<512xf32, #tpu.memory_space<hbm>>) target_semaphore(%run_scoped3A : memref<!tpu.dma_semaphore, #tpu.memory_space<semaphore_mem>>)
      %dma_wait3A_296 = tpu.memref_slice %arg8[%mul3A_293] : memref<16384xf32, #tpu.memory_space<hbm>> -> memref<512xf32, #tpu.memory_space<hbm>>
      %dma_wait3A_297 = tpu.memref_slice %arg8[%mul3A_293] : memref<16384xf32, #tpu.memory_space<hbm>> -> memref<512xf32, #tpu.memory_space<hbm>>
      tpu.wait_dma2 semaphore(%run_scoped3A : memref<!tpu.dma_semaphore, #tpu.memory_space<semaphore_mem>>) src(%arg15 : memref<512xf32, #tpu.memory_space<vmem>>) dst(%dma_wait3A_297 : memref<512xf32, #tpu.memory_space<hbm>>)
      tpu.yield
    }) : () -> ()
    return
  }
}

</mosaic_0001>

<sc_bundles>
// kernel: kernel.3.cloned.1.call-start
scs
__scs_entry_jumppad:
0x0: {  	(pc) =	sbr.rel $0x88, $3  }
0x1: {  	(tag) =	ssettag $0x0;
	lr =	simm.s32 $0x1  }
0x2: {  	[smem:$0x3F9B] =	sst lr;
	_ =	strace $0xD0000000  }
0x3: {  	_ = 	snop  }
0x4: {  	_ = 	snop  }
0x5: {  	_ = 	snop  }
0x6: {  	_ = 	snop  }
0x7: {  	_ = 	snop  }
__scs_overlays_trampoline_lowered:
0x8: {  	[smem:$0x3FAA] =	sst s0  }
0x9: {  	[smem:$0x3FAB] =	sst s1  }
0xa: {  	[smem:$0x3FAC] =	sst s2  }
0xb: {  	[smem:$0x3FAD] =	sst s3  }
0xc: {  	[smem:$0x3FAE] =	sst s4  }
0xd: {  	[smem:$0x3FAF] =	sst s5  }
0xe: {  	[smem:$0x3FB0] =	sst s6  }
0xf: {  	[smem:$0x3FB1] =	sst s7  }
0x10: {  	[smem:$0x3FB2] =	sst s8  }
0x11: {  	[smem:$0x3FB3] =	sst s9;
	s0 =	simm.s32 @!p0 $0x0  }
0x12: {  	s1 =	sld [smem:$0x3F99];
	s0 =	simm.s32 @p0 $0x1  }
0x13: {  	[smem:$0x3FB4] =	sst s0;
	s0 =	simm.s32 @!p1 $0x0  }
0x14: {  	s2 =	sld [smem:$0x3F98];
	s0 =	simm.s32 @p1 $0x1  }
0x15: {  	[smem:$0x3FB5] =	sst s0;
	s0 =	simm.s32 @!p2 $0x0  }
0x16: {  	s3 =	sld [smem:$0x3FDB];
	s0 =	simm.s32 @p2 $0x1  }
0x17: {  	s4 =	simm.s32 $0x1BF5;
	[smem:$0x3FB7] =	sst s0  }
0x18: {  	s0 =	sld [smem:$0x3F9A];
	_ =	swait.ge [sflag:s4], $0x0  }
0x19: {  	s7 =	sld [smem:$0x3F9B]  }
0x1a: {  	s8 =	sadd.s32 $0xFFFFE003, lr  }
0x1b: {  	s9 =	sadd.s32 $0xFFFFFEF7, lr;
	s5 =	simm.s32 $0xFFFFFFFF;
	p2 =	slt.u32 s8, $0xFFFFF086  }
0x1c: {  	p1 =	slt.u32 s9, $0xF7A;
	s5 =	simm.s32 @!p2 $0x0  }
0x1d: {  	s5 =	simm.s32 @p1 $0x1;
	p0 =	seq.s32 s7, s2  }
0x1e: {  	s7 =	smul.u32 @!p0 $0xF7A, s2;
	p2 =	seq.s32 @!p0 s5, $0x0  }
0x1f: {  	s9 =	smul.u32 $0xF7A, s1;
	s8 =	simm.s32 @!p0 $0x1BF5;
	p2 =	por !p2, p0  }
0x20: {  	[sflag:s8] =	ssyncset.s32 @!p0 $0xFFFFF086;
	s6 =	sadd.s32 @!p0 s3, s7;
	s7 =	simm.s32 @!p0 $0x108  }
0x21: {  	s3 =	sadd.s32 s3, s9;
	s6 =	sadd.s32 @!p0 $0x88, s6;
	s7 =	simm.s32 @p2 $0x1082  }
0x22: {  	[simem:s7], [sflag:s8] =	dma.local @!p0 [hbm:s6], $0xF7A  }
0x23: {  	s9 =	sor.u32 $0xD0000000, s2;
	s6 =	simm.s32 $0x108;
	_ =	swait.ge @!p0 [sflag:s8], $0x0  }
0x24: {  	s3 =	sadd.s32 $0x88, s3;
	s6 =	simm.s32 @!p1 $0x1082;
	[sflag:s4] =	ssyncset.s32 $0xFFFFF086  }
0x25: {  	[simem:s6], [sflag:s4] =	dma.local [hbm:s3], $0xF7A  }
0x26: {  	[smem:$0x3F9B] =	sst s1;
	(tag) =	ssettag s2;
	_ =	strace s9  }
0x27: {  	s1 =	sld [smem:$0x3FAB]  }
0x28: {  	s2 =	sld [smem:$0x3FAC]  }
0x29: {  	s4 =	sld [smem:$0x3FAE]  }
0x2a: {  	p0 =	seq.s32 s5, $0x0;
	s5 =	sld [smem:$0x3FAF]  }
0x2b: {  	s6 =	sld [smem:$0x3FB0]  }
0x2c: {  	s7 =	sld [smem:$0x3FB1]  }
0x2d: {  	s3 =	simm.s32 $0x108;
	s8 =	sld [smem:$0x3FB2]  }
0x2e: {  	s3 =	simm.s32 @!p0 $0x1082;
	s9 =	sld [smem:$0x3FB3]  }
0x2f: {  	lr =	sadd.s32 s0, s3;
	s0 =	sld [smem:$0x3FAA]  }
0x30: {  	s3 =	sld [smem:$0x3FAD]  }
0x31: {  	[smem:$0x3FB6] =	sst s10  }
0x32: {  	s10 =	sld [smem:$0x3FB4];
	_ =	sdelay $0x3  }
0x33: {  	p0 =	seq.s32 s10, $0x1;
	s10 =	sld [smem:$0x3FB6];
	_ =	sdelay $0x3  }
0x34: {  	[smem:$0x3FB6] =	sst s10  }
0x35: {  	s10 =	sld [smem:$0x3FB5];
	_ =	sdelay $0x3  }
0x36: {  	p1 =	seq.s32 s10, $0x1;
	s10 =	sld [smem:$0x3FB6];
	_ =	sdelay $0x3  }
0x37: {  	[smem:$0x3FB6] =	sst s10  }
0x38: {  	s10 =	sld [smem:$0x3FB7]  }
0x39: {  	_ = 	snop;
	(pc) =	sbr.ind lr, $3  }
0x3a: {  	_ = 	snop  }
0x3b: {  	_ = 	snop  }
0x3c: {  	p2 =	seq.s32 s10, $0x1;
	s10 =	sld [smem:$0x3FB6]  }
0x3d: {  	_ =	shalt  }
0x3e: {  	_ =	shalt  }
0x3f: {  	_ =	shalt  }
0x40: {  	_ =	shalt  }
0x41: {  	_ =	shalt  }
0x42: {  	_ =	shalt  }
0x43: {  	_ =	shalt  }
0x44: {  	_ =	shalt  }
0x45: {  	_ =	shalt  }
0x46: {  	_ =	shalt  }
0x47: {  	_ =	shalt  }
0x48: {  	_ =	shalt  }
0x49: {  	_ =	shalt  }
0x4a: {  	_ =	shalt  }
0x4b: {  	_ =	shalt  }
0x4c: {  	_ =	shalt  }
0x4d: {  	_ =	shalt  }
0x4e: {  	_ =	shalt  }
0x4f: {  	_ =	shalt  }
0x50: {  	_ =	shalt  }
0x51: {  	_ =	shalt  }
0x52: {  	_ =	shalt  }
0x53: {  	_ =	shalt  }
0x54: {  	_ =	shalt  }
0x55: {  	_ =	shalt  }
0x56: {  	_ =	shalt  }
0x57: {  	_ =	shalt  }
0x58: {  	_ =	shalt  }
0x59: {  	_ =	shalt  }
0x5a: {  	_ =	shalt  }
0x5b: {  	_ =	shalt  }
0x5c: {  	_ =	shalt  }
0x5d: {  	_ =	shalt  }
0x5e: {  	_ =	shalt  }
0x5f: {  	_ =	shalt  }
0x60: {  	_ =	shalt  }
0x61: {  	_ =	shalt  }
0x62: {  	_ =	shalt  }
0x63: {  	_ =	shalt  }
0x64: {  	_ =	shalt  }
0x65: {  	_ =	shalt  }
0x66: {  	_ =	shalt  }
0x67: {  	_ =	shalt  }
0x68: {  	_ =	shalt  }
0x69: {  	_ =	shalt  }
0x6a: {  	_ =	shalt  }
0x6b: {  	_ =	shalt  }
0x6c: {  	_ =	shalt  }
0x6d: {  	_ =	shalt  }
0x6e: {  	_ =	shalt  }
0x6f: {  	_ =	shalt  }
0x70: {  	_ =	shalt  }
0x71: {  	_ =	shalt  }
0x72: {  	_ =	shalt  }
0x73: {  	_ =	shalt  }
0x74: {  	_ =	shalt  }
0x75: {  	_ =	shalt  }
0x76: {  	_ =	shalt  }
0x77: {  	_ =	shalt  }
0x78: {  	_ =	shalt  }
0x79: {  	_ =	shalt  }
0x7a: {  	_ =	shalt  }
0x7b: {  	_ =	shalt  }
0x7c: {  	_ =	shalt  }
0x7d: {  	_ =	shalt  }
0x7e: {  	_ =	shalt  }
0x7f: {  	_ =	shalt  }
0x80: {  	_ =	shalt  }
0x81: {  	_ =	shalt  }
0x82: {  	_ =	shalt  }
0x83: {  	_ =	shalt  }
0x84: {  	_ =	shalt  }
0x85: {  	_ =	shalt  }
0x86: {  	_ =	shalt  }
0x87: {  	_ =	shalt  }
.Lfunc_end0:
.L_simem_size_0:
called_computation_lowered:
.L_overlay_start_0:
0x88: {  	s2 =	sld [smem:$0x3FD9]  }
0x89: {  	s3 =	sld [smem:$0x3FFE];
	_ =	sdelay $0x1  }
0x8a: {  	s1 =	srdreg.scid  }
0x8b: {  	s0 =	sand.u32 $0x1, s1  }
0x8c: {  	s17 =	sshll.u32 s0, $0xA;
	s2 =	sadd.s32 s3, s2  }
0x8d: {  	s2 =	sadd.s32 s2, s17  }
0x8e: {  	[smem:$0x3FC2] =	sst s2  }
0x8f: {  	_ = 	snop  }
0x90: {  	s2 =	sld [smem:$0x3FC9]  }
0x91: {  	s18 =	sld [smem:$0x3FC8]  }
0x92: {  	s4 =	sld [smem:$0x3FD0];
	(tm) =	ssettm $0x1  }
0x93: {  	s5 =	sld [smem:$0x3FFB];
	_ =	sdelay $0x3  }
0x94: {  	_ =	strace s5  }
0x95: {  	s5 =	sld [smem:$0x3FFC];
	_ =	sdelay $0x3  }
0x96: {  	_ =	strace s5  }
0x97: {  	s5 =	sld [smem:$0x3FFD];
	_ =	sdelay $0x3  }
0x98: {  	_ =	strace s5  }
0x99: {  	_ =	strace $0x8FFFFFFF  }
0x9a: {  	s19 =	sld [smem:$0x3FDB];
	_ =	sdelay $0x1  }
0x9b: {  	s6 =	simm.s32 $_scs_section_size  }
0x9c: {  	s7 =	simm.s32 $_size__tile_overlayer_lowered;
	s8 =	simm.s32 $_tile_overlayer_lowered  }
0x9d: {  	s22 =	simm.s32 $0x1BFF;
	s21 =	sshll.u32 s8, $0x1;
	s5 =	sadd.s32 s6, s19  }
0x9e: {  	s9 =	simm.s32 $0x0;
	s20 =	sshll.u32 s7, $0x1;
	s7 =	sadd.s32 s21, s5  }
0x9f: {  	[timem:s9], [sflag:s22] =	dma.local [hbm:s7], s20  }
0xa0: {  	_ =	swait.ge [sflag:s22], s20  }
0xa1: {  	s6 =	ssub.s32 $0x0, s20;
	[sflag:s22] =	ssyncset.done $0x0  }
0xa2: {  	[sflag:s22] =	ssyncadd.s32 s6;
	_ =	sdelay $0x1  }
0xa3: {  	s23 =	simm.s32 $0x1B8B  }
0xa4: {  	_ =	swait.ge [sflag:s23], $0x1  }
0xa5: {  	[sflag:s23] =	ssyncset.done $0x0  }
0xa6: {  	s25 =	simm.s32 $0x1B8E;
	s24 =	sld [smem:$0x3FFE];
	[sflag:s23] =	ssyncadd.s32 $0xFFFFFFFF  }
0xa7: {  	s26 =	simm.s32 $execute0_lowered;
	[smem:$0x3FD2] =	sst s25  }
0xa8: {  	s7 =	sshll.u32 s26, $0x1;
	_ =	strace $0x80000046;
	[dreg:$0x1] =	wrdreg $0xFFFFFFFF  }
0xa9: {  	s28 =	simm.s32 $_size_execute0_lowered;
	s5 =	sadd.s32 s5, s7;
	[dreg:$0x0] =	wrdreg $0x0  }
0xaa: {  	s7 =	sshll.u32 s28, $0x1;
	[dreg:$0x2] =	wrdreg s5  }
0xab: {  	[dreg:$0x3] =	wrdreg s7  }
0xac: {  	[dreg:$0x4] =	wrdreg $0xC0  }
0xad: {  	_ =	task [dreg:s9], $0x5FFFF  }
0xae: {  	[dreg:$0x1] =	wrdreg $0xFFFFFFFF  }
0xaf: {  	[dreg:$0x0] =	wrdreg $0x60  }
0xb0: {  	[dreg:$0x2] =	wrdreg s2  }
0xb1: {  	[dreg:$0x3] =	wrdreg s18  }
0xb2: {  	[dreg:$0x4] =	wrdreg s24  }
0xb3: {  	[dreg:$0x5] =	wrdreg s4  }
0xb4: {  	[dreg:$0x6] =	wrdreg $0x9  }
0xb5: {  	_ =	task.clear_ibuf [dreg:s9], $0x7FFFF;
	_ =	strace $0x90000046  }
0xb6: {  	s29 =	simm.s32 $0x9;
	_ =	strace $0x80000048  }
0xb7: {  	_ =	swait.ge [sflag:s29], $0x1  }
0xb8: {  	[sflag:s29] =	ssyncadd.s32 $0xFFFFFFFF  }
0xb9: {  	_ =	strace $0x90000048  }
0xba: {  	_ =	sfence  }
0xbb: {  	s30 =	sld [smem:$0x0];
	_ =	sdelay $0x2  }
0xbc: {  	s31 =	sshll.u32 s1, $0xD;
	s1 =	sshrl.u32 s1, $0x2  }
0xbd: {  	s3 =	sand.u32 $0x4000, s31;
	s1 =	sadd.s32 s1, s30  }
0xbe: {  	s0 =	sor.u32 s3, s0;
	s1 =	sshll.u32 s1, $0x11  }
0xbf: {  	s0 =	sor.u32 s1, s0  }
0xc0: {  	s0 =	sadd.s32 $0x8F2B, s0  }
0xc1: {  	[sflag:s0] =	ssyncadd.remote.s32 $0x1  }
0xc2: {  	_ =	sfence.sel $0xFFFF  }
0xc3: {  	[dreg:$0x0] =	wrdreg $0xFFFFFFFF;
	(pc) =	sbr.abs _section_cstart, $3  }
0xc4: {  	[dreg:$0x1] =	wrdreg $0xFFFFFFFF  }
0xc5: {  	_ =	task.clear_ibuf [dreg:s9], $0x2FFFF;
	_ =	strace $0x9FFFFFFF  }
0xc6: {  	(tm) =	ssettm $0x7FFFFFFF  }
0xc7: {  	_ =	shalt  }
tec
execute0_lowered:
.L_overlay_start_1:
0x0: {  	(tag) =	ssettag $0x1  }
0x1: {  	s0 =	rddreg [dreg:$0x0]  }
0x2: {  	s3 =	rddreg [dreg:$0x1]  }
0x3: {  	s1 =	rddreg [dreg:$0x2]  }
0x4: {  	s9 =	rddreg [dreg:$0x3];
	s2 =	simm.s32 $0x0;
	s5 =	srdreg.scid  }
0x5: {  	s6 =	stileid.u32;
	s12 =	simm.s32 $0x200;
	s13 =	simm.s32 $0x80  }
0x6: {  	s14 =	simm.s32 $0x400;
	s15 =	simm.s32 $0x8400;
	s19 =	simm.s32 $0x280  }
0x7: {  	s23 =	simm.s32 $0x100;
	s25 =	simm.s32 $0x300;
	s28 =	simm.s32 $0x10500  }
0x8: {  	s29 =	simm.s32 $0x10700;
	s30 =	simm.s32 $0x180;
	s31 =	simm.s32 $0x6400  }
0x9: {  	s16 =	simm.s32 $0x10580;
	s17 =	simm.s32 $0x10780;
	s18 =	simm.s32 $0x1  }
0xa: {  	s20 =	simm.s32 $0x10800;
	s21 =	simm.s32 $0x0;
	[smem:$0x7FF] =	sst s2  }
0xb: {  	s4 =	sadd.s32 $0x16E3600, s1;
	s5 =	sand.u32 $0x1, s5;
	s6 =	sshll.u32 s6, $0x7  }
0xc: {  	_ =	strace $0x80000047;
	s7 =	ssub.s32 $0x2, s5;
	s8 =	sshll.u32 s5, $0x6  }
0xd: {  	s5 =	sadd.s32 $0xF42400, s1;
	s10 =	sshrl.u32 s7, $0x1;
	s11 =	sor.u32 s8, s6  }
0xe: {  	s6 =	sadd.s32 $0x1EA00, s1;
	s10 =	ssub.s32 s7, s10;
	s7 =	sadd.s32 s0, s11  }
0xf: {  	v0 =	vlaneseq.u32;
	s8 =	sadd.s32 s3, s11;
	s9 =	sadd.s32 s9, s11;
	s11 =	simm.s32 $0x2  }
0x10: {  	v0 =	vmul.u32 $0x40, v0;
	s0 =	simm.s32 $0x380;
	s3 =	simm.s32 $0xE400;
	s10 =	smax.u32 s10, $0x1  }
.LBB2_1:
0x11: {  	[tilespmem:s2], [sflag:$0x2] =	stream.linear.gather [hbm4b:s7+s2], $0x200, $0x38;
	[tilespmem:$0x10A00] =	vst v63  }
0x12: {  	_ =	swait.ge [sflag:s11], $0x200  }
0x13: {  	[sflag:s11] =	ssyncset.done $0x0  }
0x14: {  	[sflag:s11] =	ssyncadd.s32 $0xFFFFFE00  }
0x15: {  	[tilespmem:s12], [sflag:$0x2] =	stream.linear.gather [hbm4b:s8+s2], $0x200, $0x38;
	[tilespmem:$0x10A00] =	vst v63  }
0x16: {  	_ =	swait.ge [sflag:s11], $0x200  }
0x17: {  	[sflag:s11] =	ssyncset.done $0x0  }
0x18: {  	[sflag:s11] =	ssyncadd.s32 $0xFFFFFE00  }
0x19: {  	[tilespmem:s14], [sflag:$0x1] =	stream.indirect.gather [hbm4b:s4+s13], $0x40, s2, s13, $0xb8;
	[tilespmem:$0x10A00] =	vst v63  }
0x1a: {  	_ = 	snop  }
0x1b: {  	[tilespmem:s15], [sflag:$0x1] =	stream.indirect.gather [hbm4b:s5+s13], $0x40, s12, s13, $0xb8;
	[tilespmem:$0x10A00] =	vst v63  }
0x1c: {  	s22 =	simm.s32 $0x10400  }
0x1d: {  	[tilespmem:s22], [sflag:$0x1] =	stream.indirect.gather [hbm4b:s6+s13], $0x1, s2, s13, $0xb8;
	[tilespmem:$0x10A00] =	vst v63  }
0x1e: {  	s26 =	simm.s32 $0x10600  }
0x1f: {  	[tilespmem:s26], [sflag:$0x1] =	stream.indirect.gather [hbm4b:s1+s13], $0x1, s12, s13, $0xb8;
	[tilespmem:$0x10A00] =	vst v63  }
0x20: {  	s24 =	simm.s32 $0x2400  }
0x21: {  	[tilespmem:s24], [sflag:$0x1] =	stream.indirect.gather [hbm4b:s4+s13], $0x40, s13, s13, $0xb8;
	[tilespmem:$0x10A00] =	vst v63  }
0x22: {  	s26 =	simm.s32 $0xA400  }
0x23: {  	[tilespmem:s26], [sflag:$0x1] =	stream.indirect.gather [hbm4b:s5+s13], $0x40, s19, s13, $0xb8;
	[tilespmem:$0x10A00] =	vst v63  }
0x24: {  	s24 =	simm.s32 $0x10480  }
0x25: {  	[tilespmem:s24], [sflag:$0x1] =	stream.indirect.gather [hbm4b:s6+s13], $0x1, s13, s13, $0xb8;
	[tilespmem:$0x10A00] =	vst v63  }
0x26: {  	s26 =	simm.s32 $0x10680  }
0x27: {  	[tilespmem:s26], [sflag:$0x1] =	stream.indirect.gather [hbm4b:s1+s13], $0x1, s19, s13, $0xb8;
	[tilespmem:$0x10A00] =	vst v63  }
0x28: {  	s24 =	simm.s32 $0x4400  }
0x29: {  	[tilespmem:s24], [sflag:$0x1] =	stream.indirect.gather [hbm4b:s4+s13], $0x40, s23, s13, $0xb8;
	[tilespmem:$0x10A00] =	vst v63  }
0x2a: {  	s26 =	simm.s32 $0xC400  }
0x2b: {  	[tilespmem:s26], [sflag:$0x1] =	stream.indirect.gather [hbm4b:s5+s13], $0x40, s25, s13, $0xb8;
	[tilespmem:$0x10A00] =	vst v63  }
0x2c: {  	_ = 	snop  }
0x2d: {  	[tilespmem:s28], [sflag:$0x1] =	stream.indirect.gather [hbm4b:s6+s13], $0x1, s23, s13, $0xb8;
	[tilespmem:$0x10A00] =	vst v63  }
0x2e: {  	_ = 	snop  }
0x2f: {  	[tilespmem:s29], [sflag:$0x1] =	stream.indirect.gather [hbm4b:s1+s13], $0x1, s25, s13, $0xb8;
	[tilespmem:$0x10A00] =	vst v63  }
0x30: {  	_ = 	snop  }
0x31: {  	[tilespmem:s31], [sflag:$0x1] =	stream.indirect.gather [hbm4b:s4+s13], $0x40, s30, s13, $0xb8;
	[tilespmem:$0x10A00] =	vst v63  }
0x32: {  	_ = 	snop  }
0x33: {  	[tilespmem:s3], [sflag:$0x1] =	stream.indirect.gather [hbm4b:s5+s13], $0x40, s0, s13, $0xb8;
	[tilespmem:$0x10A00] =	vst v63  }
0x34: {  	_ = 	snop  }
0x35: {  	[tilespmem:s16], [sflag:$0x1] =	stream.indirect.gather [hbm4b:s6+s13], $0x1, s30, s13, $0xb8;
	[tilespmem:$0x10A00] =	vst v63  }
0x36: {  	_ = 	snop  }
0x37: {  	[tilespmem:s17], [sflag:$0x1] =	stream.indirect.gather [hbm4b:s1+s13], $0x1, s0, s13, $0xb8;
	[tilespmem:$0x10A00] =	vst v63  }
0x38: {  	_ =	swait.ge [sflag:s18], $0x2000  }
0x39: {  	[sflag:s18] =	ssyncset.done $0x0  }
0x3a: {  	[sflag:s18] =	ssyncadd.s32 $0xFFFFE000  }
0x3b: {  	_ =	swait.ge [sflag:s18], $0x2000  }
0x3c: {  	[sflag:s18] =	ssyncset.done $0x0  }
0x3d: {  	[sflag:s18] =	ssyncadd.s32 $0xFFFFE000  }
0x3e: {  	_ =	swait.ge [sflag:s18], $0x80  }
0x3f: {  	[sflag:s18] =	ssyncset.done $0x0  }
0x40: {  	[sflag:s18] =	ssyncadd.s32 $0xFFFFFF80  }
0x41: {  	_ =	swait.ge [sflag:s18], $0x80  }
0x42: {  	[sflag:s18] =	ssyncset.done $0x0  }
0x43: {  	[sflag:s18] =	ssyncadd.s32 $0xFFFFFF80  }
0x44: {  	_ =	swait.ge [sflag:s18], $0x2000  }
0x45: {  	[sflag:s18] =	ssyncset.done $0x0  }
0x46: {  	[sflag:s18] =	ssyncadd.s32 $0xFFFFE000  }
0x47: {  	_ =	swait.ge [sflag:s18], $0x2000  }
0x48: {  	[sflag:s18] =	ssyncset.done $0x0  }
0x49: {  	[sflag:s18] =	ssyncadd.s32 $0xFFFFE000  }
0x4a: {  	_ =	swait.ge [sflag:s18], $0x80  }
0x4b: {  	[sflag:s18] =	ssyncset.done $0x0  }
0x4c: {  	[sflag:s18] =	ssyncadd.s32 $0xFFFFFF80  }
0x4d: {  	_ =	swait.ge [sflag:s18], $0x80  }
0x4e: {  	[sflag:s18] =	ssyncset.done $0x0  }
0x4f: {  	[sflag:s18] =	ssyncadd.s32 $0xFFFFFF80  }
0x50: {  	_ =	swait.ge [sflag:s18], $0x2000  }
0x51: {  	[sflag:s18] =	ssyncset.done $0x0  }
0x52: {  	[sflag:s18] =	ssyncadd.s32 $0xFFFFE000  }
0x53: {  	_ =	swait.ge [sflag:s18], $0x2000  }
0x54: {  	[sflag:s18] =	ssyncset.done $0x0  }
0x55: {  	[sflag:s18] =	ssyncadd.s32 $0xFFFFE000  }
0x56: {  	_ =	swait.ge [sflag:s18], $0x80  }
0x57: {  	[sflag:s18] =	ssyncset.done $0x0  }
0x58: {  	[sflag:s18] =	ssyncadd.s32 $0xFFFFFF80  }
0x59: {  	_ =	swait.ge [sflag:s18], $0x80  }
0x5a: {  	[sflag:s18] =	ssyncset.done $0x0  }
0x5b: {  	[sflag:s18] =	ssyncadd.s32 $0xFFFFFF80  }
0x5c: {  	_ =	swait.ge [sflag:s18], $0x2000  }
0x5d: {  	[sflag:s18] =	ssyncset.done $0x0  }
0x5e: {  	[sflag:s18] =	ssyncadd.s32 $0xFFFFE000  }
0x5f: {  	_ =	swait.ge [sflag:s18], $0x2000  }
0x60: {  	[sflag:s18] =	ssyncset.done $0x0  }
0x61: {  	[sflag:s18] =	ssyncadd.s32 $0xFFFFE000  }
0x62: {  	_ =	swait.ge [sflag:s18], $0x80  }
0x63: {  	[sflag:s18] =	ssyncset.done $0x0  }
0x64: {  	[sflag:s18] =	ssyncadd.s32 $0xFFFFFF80  }
0x65: {  	_ =	swait.ge [sflag:s18], $0x80  }
0x66: {  	[sflag:s18] =	ssyncset.done $0x0  }
0x67: {  	s22 =	simm.s32 $0x0;
	[sflag:s18] =	ssyncadd.s32 $0xFFFFFF80  }
.LBB2_2:
0x68: {  	s26 =	simm.s32 $0x0  }
0x69: {  	s24 =	sshll.u32 s22, $0x4;
	v1 =	vmov s26  }
0x6a: {  	v2 =	vmov s24;
	v1 =	vand.u32 $0x3F, v1  }
0x6b: {  	v2 =	vshll.u32 v2, $0x6;
	v3 =	vbroadcast v1, $0x0  }
0x6c: {  	v1 =	vor.u32 v0, v2  }
0x6d: {  	s26 =	simm.s32 $0x1;
	v2 =	vor.u32 v1, v3  }
0x6e: {  	v3 =	vmov s26  }
0x6f: {  	v3 =	vand.u32 $0x3F, v3  }
0x70: {  	v4 =	vld [tilespmem:s24+$0x10400];
	v3 =	vbroadcast v3, $0x0  }
0x71: {  	v5 =	vld [tilespmem:s24+$0x10600]  }
0x72: {  	v7 =	vor.u32 v1, v3;
	v6 =	vld.idx.msk [tilespmem:v2+s14+$0x0], $0xffff  }
0x73: {  	s26 =	simm.s32 $0x2;
	v8 =	vld.idx.msk [tilespmem:v2+s15+$0x0], $0xffff  }
0x74: {  	v2 =	vmov s26  }
0x75: {  	v2 =	vand.u32 $0x3F, v2  }
0x76: {  	v9 =	vbroadcast v2, $0x0  }
0x77: {  	v2 =	vld.idx.msk [tilespmem:v7+s14+$0x0], $0xffff  }
0x78: {  	v3 =	vadd.f32 v5, v4;
	s26 =	simm.s32 $0x3;
	v5 =	vor.u32 v1, v9;
	v4 =	vld.idx.msk [tilespmem:v7+s15+$0x0], $0xffff;
	v6 =	vmul.f32 v8, v6  }
.LBB2_3:
0x79: {  	p0 =	sne.s32 s26, $0x3F  }
.Ltmp0:
0x7a: {  	v7 =	vmov s26;
	v3 =	vadd.f32 v6, v3;
	(pc) =	sbr.rel @p0 .LBB2_3-.Ltmp0, $4  }
0x7b: {  	s26 =	sadd.s32 $0x1, s26;
	v8 =	vand.u32 $0x3F, v7  }
0x7c: {  	v7 =	vbroadcast v8, $0x0  }
0x7d: {  	v6 =	vmov v2;
	v2 =	vld.idx.msk [tilespmem:v5+s14+$0x0], $0xffff  }
0x7e: {  	v6 =	vmul.f32 v4, v6;
	v4 =	vld.idx.msk [tilespmem:v5+s15+$0x0], $0xffff;
	v5 =	vor.u32 v1, v7  }
0x7f: {  	_ =	sdelay $0x3  }
0x80: {  	v1 =	vld.idx.msk [tilespmem:v5+s14+$0x0], $0xffff  }
0x81: {  	v63 =	vld.idx.msk [tilespmem:v5+s15+$0x0], $0xffff;
	_ =	sdelay $0x2  }
0x82: {  	s22 =	sadd.s32 $0x1, s22;
	v3 =	vadd.f32 v6, v3;
	v2 =	vmul.f32 v4, v2  }
0x83: {  	p0 =	sne.s32 s22, $0x20  }
.Ltmp1:
0x84: {  	v1 =	vmul.f32 v63, v1;
	v2 =	vadd.f32 v2, v3;
	(pc) =	sbr.rel @p0 .LBB2_2-.Ltmp1, $3  }
0x85: {  	_ = 	snop  }
0x86: {  	v1 =	vadd.f32 v1, v2;
	_ =	sdelay $0x1  }
0x87: {  	[tilespmem:s24+$0x10800] =	vst v1  }
0x88: {  	s21 =	sadd.s32 $0x1, s21  }
0x89: {  	p0 =	sne.s32 s21, s10  }
.Ltmp2:
0x8a: {  	_ = 	snop;
	(pc) =	sbr.rel @p0 .LBB2_1-.Ltmp2, $4  }
0x8b: {  	[hbm4b:s9+s2] =	stream.linear.scatter [tilespmem:s20], [sflag:$0x2], $0x200, $0x38;
	[tilespmem:$0x10A00] =	vst v63  }
0x8c: {  	_ =	swait.ge [sflag:s11], $0x200  }
0x8d: {  	[sflag:s11] =	ssyncset.done $0x0  }
0x8e: {  	[sflag:s11] =	ssyncadd.s32 $0xFFFFFE00  }
0x8f: {  	_ =	sfence.sel $0x180000  }
0x90: {  	[bflag:$0x0] =	sbarrier.arrive $0xFFFF  }
0x91: {  	_ =	strace $0x90000047  }
0x92: {  	s0 =	stileid.u32;
	[bflag:$0x2] =	sbarrier.arrive $0xFFFF  }
0x93: {  	p0 =	sne.s32 s0, $0x0;
	s0 =	rddreg [dreg:$0x4]  }
0x94: {  	s0 =	sadd.s32 @!p0 $0x100000, s0  }
0x95: {  	[sflag:s0] =	ssyncadd.tile.s32 @!p0 $0x1;
	_ =	shalt  }
.Lfunc_end2:
_tile_overlayer_lowered:
.L_overlay_start_2:
0x96: {  	(tag) =	ssettag $0x2  }
0x97: {  	s0 =	rddreg [dreg:$0x0];
	s2 =	stileid.u32  }
0x98: {  	s1 =	rddreg [dreg:$0x1];
	p0 =	sne.s32 s2, $0x0  }
0x99: {  	s3 =	rddreg [dreg:$0x2];
	[bflag:$0x3] =	sbarrier.arrive $0xFFFF;
	s2 =	simm.s32 @!p0 $0x1C02  }
0x9a: {  	[timem:s3], [sflag:s2] =	dma.local @!p0 [hbm:s0], s1  }
0x9b: {  	s0 =	simm.s32 @!p0 $0x2  }
0x9c: {  	_ =	swait.ge @!p0 [sflag:s0], s1  }
0x9d: {  	s1 =	ssub.s32 @!p0 $0x0, s1;
	[sflag:s0] =	ssyncset.done @!p0 $0x0  }
0x9e: {  	[sflag:s0] =	ssyncadd.s32 @!p0 s1  }
0x9f: {  	[bflag:$0x3] =	sbarrier.arrive $0xFFFF  }
0xa0: {  	_ =	shalt  }

</sc_bundles>
